<compile_context>
chip_gen: v7x
topology: tpu7x:2x2x1
jax: 0.10.2.dev20260603
libtpu: 0.0.44.dev20260713+nightly
codegen_flags: <defaults>
</compile_context>

<pallas_src>
import functools

import jax
import jax.numpy as jnp
from jax import lax
from jax.experimental import pallas as pl
from jax.experimental.pallas import tpu as pltpu
from jax.experimental.pallas import tpu_sc as plsc

VOCAB = 1000
BATCH = 1024
SEQ = 200
EMBED_DIM = 128

NUM_CORES = 2
NUM_SUBCORES = 16
NW = NUM_CORES * NUM_SUBCORES
ROWS_W = BATCH // NW

SPLITS = (128, 72)
NBUF = 4
NGROUPS = ROWS_W // NBUF


@functools.partial(
    pl.kernel,
    mesh=plsc.VectorSubcoreMesh(core_axis_name="c", subcore_axis_name="s"),
    out_type=jax.ShapeDtypeStruct((BATCH, SEQ, EMBED_DIM), jnp.float32),
    scratch_types=(
        [pltpu.VMEM_SHARED((VOCAB, EMBED_DIM), jnp.float32)]
        + [pltpu.VMEM((ROWS_W, SEQ), jnp.int32)]
        + [pltpu.VMEM((SEQ, EMBED_DIM), jnp.float32) for _ in range(NBUF)]
        + [pltpu.SemaphoreType.DMA for _ in range(2 * NBUF)]
    ),
)
def _embed_gather(table_hbm, idx_hbm, out_hbm, table_sp, idx_v, *bufs_and_sems):
    bufs = bufs_and_sems[:NBUF]
    gsems = bufs_and_sems[NBUF:2 * NBUF]
    wsems = bufs_and_sems[2 * NBUF:]

    sid = lax.axis_index("s")
    wid = sid * NUM_CORES + lax.axis_index("c")
    row0 = wid * ROWS_W

    @pl.when(sid == 0)
    def _stage():
        pltpu.sync_copy(table_hbm, table_sp)

    pltpu.sync_copy(idx_hbm.at[pl.ds(row0, ROWS_W)], idx_v)
    plsc.subcore_barrier()

    def gather_piece(r, k, b):
        off = sum(SPLITS[:k])
        return pltpu.make_async_copy(
            table_sp.at[idx_v.at[r, pl.ds(off, SPLITS[k])]],
            bufs[b].at[pl.ds(off, SPLITS[k])],
            gsems[b])

    def gstart(r, b):
        for k in range(len(SPLITS)):
            gather_piece(r, k, b).start()

    def gwait(r, b):
        for k in range(len(SPLITS)):
            gather_piece(r, k, b).wait()

    def write(r, b):
        return pltpu.make_async_copy(bufs[b], out_hbm.at[row0 + r], wsems[b])

    for b in range(NBUF):
        gstart(b, b)

    def group_body(g, carry):
        for b in range(NBUF):
            r = g * NBUF + b
            gwait(r, b)
            write(r, b).start()
            write(r, b).wait()
            gstart(r + NBUF, b)
        return carry

    lax.fori_loop(0, NGROUPS - 1, group_body, 0)

    for b in range(NBUF):
        r = (NGROUPS - 1) * NBUF + b
        gwait(r, b)
        write(r, b).start()
    for b in range(NBUF):
        r = (NGROUPS - 1) * NBUF + b
        write(r, b).wait()


def kernel(sentences, embed_weight):
    return _embed_gather(embed_weight, sentences.astype(jnp.int32))

# --- scband reference (transcript-rebuilt; emitter-appended) ---
"""Pipeline reference for scband-language-embedding-layer-20444044328994 (READ-ONLY COPY).

The authoritative reference and input builder live on the scoring server;
editing this copy changes nothing except your own understanding.
"""

import jax, jax.numpy as jnp
import numpy as np

VOCAB = 1000
EMBED_DIM = 128
BATCH = 1024
SEQ = 200

def setup_inputs(seed: int = 0) -> dict:
    key = jax.random.key(seed)
    k_idx, k_w = jax.random.split(key)
    sentences = jax.random.randint(k_idx, (BATCH, SEQ), 0, VOCAB, dtype=jnp.int64 if jax.config.read('jax_enable_x64') else jnp.int32)
    embed_weight = jax.random.normal(k_w, (VOCAB, EMBED_DIM), dtype=jnp.float32)
    return {"sentences": sentences, "embed_weight": embed_weight}

def reference(sentences, embed_weight):
    # GloVe path of LanguageEmbeddingLayer: nn.Embedding lookup
    return jnp.take(embed_weight, sentences, axis=0)

if __name__ == "__main__":
    import jax
    _d = setup_inputs()
    print(jax.jit(kernel)(*tuple(_d.values())))

</pallas_src>

<mosaic_0001>
#map = affine_map<(d0, d1) -> (0, 0)>
#map1 = affine_map<(d0, d1) -> (0, 0, 0)>
module attributes {stable_mosaic.version = 14 : i64} {
  func.func @_embed_gather(%arg0: i32, %arg1: i32, %arg2: memref<1000x128xf32, #tpu.memory_space<hbm>>, %arg3: memref<1024x200xi32, #tpu.memory_space<hbm>>, %arg4: memref<1024x200x128xf32, #tpu.memory_space<hbm>>, %arg5: memref<1000x128xf32, #tpu.memory_space<vmem_shared>>, %arg6: memref<32x200xi32, #tpu.memory_space<vmem>>, %arg7: memref<200x128xf32, #tpu.memory_space<vmem>>, %arg8: memref<200x128xf32, #tpu.memory_space<vmem>>, %arg9: memref<200x128xf32, #tpu.memory_space<vmem>>, %arg10: memref<200x128xf32, #tpu.memory_space<vmem>>, %arg11: memref<!tpu.dma_semaphore, #tpu.memory_space<semaphore_mem>>, %arg12: memref<!tpu.dma_semaphore, #tpu.memory_space<semaphore_mem>>, %arg13: memref<!tpu.dma_semaphore, #tpu.memory_space<semaphore_mem>>, %arg14: memref<!tpu.dma_semaphore, #tpu.memory_space<semaphore_mem>>, %arg15: memref<!tpu.dma_semaphore, #tpu.memory_space<semaphore_mem>>, %arg16: memref<!tpu.dma_semaphore, #tpu.memory_space<semaphore_mem>>, %arg17: memref<!tpu.dma_semaphore, #tpu.memory_space<semaphore_mem>>, %arg18: memref<!tpu.dma_semaphore, #tpu.memory_space<semaphore_mem>>) attributes {dimension_semantics = [#tpu.dimension_semantics<core_parallel>, #tpu.dimension_semantics<subcore_parallel>], iteration_bounds = array<i64: 2, 16>, scalar_prefetch = 0 : i64, scratch_operands = 14 : i64, tpu.core_type = #tpu.core_type<sc_vector_subcore>, window_params = [{transform_indices = #map}, {transform_indices = #map}, {transform_indices = #map1}]} {
    %mul3A = arith.constant 2 : i32
    %mul3A_0 = arith.muli %arg1, %mul3A : i32
    %add3A = arith.addi %mul3A_0, %arg0 : i32
    %mul3A_1 = arith.constant 32 : i32
    %mul3A_2 = arith.muli %add3A, %mul3A_1 : i32
    %eq3A = arith.constant 0 : i32
    %eq3A_3 = arith.cmpi eq, %arg1, %eq3A : i32
    %convert_element_type3A = arith.extui %eq3A_3 : i1 to i32
    %cond3A = arith.constant 0 : i32
    %cond3A_4 = arith.cmpi ne, %convert_element_type3A, %cond3A : i32
    scf.if %cond3A_4 {
      "tpu.region"() ({
        %run_scoped3A = tpu.sem_alloc : memref<!tpu.dma_semaphore, #tpu.memory_space<semaphore_mem>>
        tpu.enqueue_dma source(%arg2 : memref<1000x128xf32, #tpu.memory_space<hbm>>) target(%arg5 : memref<1000x128xf32, #tpu.memory_space<vmem_shared>>) target_semaphore(%run_scoped3A : memref<!tpu.dma_semaphore, #tpu.memory_space<semaphore_mem>>)
        tpu.wait_dma2 semaphore(%run_scoped3A : memref<!tpu.dma_semaphore, #tpu.memory_space<semaphore_mem>>) src(%arg2 : memref<1000x128xf32, #tpu.memory_space<hbm>>) dst(%arg5 : memref<1000x128xf32, #tpu.memory_space<vmem_shared>>)
        tpu.yield
      }) : () -> ()
    } else {
    }
    "tpu.region"() ({
      %run_scoped3A = tpu.sem_alloc : memref<!tpu.dma_semaphore, #tpu.memory_space<semaphore_mem>>
      %dma_start3A_248 = arith.constant 0 : i32
      %dma_start3A_249 = tpu.memref_slice %arg3[%mul3A_2, %dma_start3A_248] : memref<1024x200xi32, #tpu.memory_space<hbm>> -> memref<32x200xi32, #tpu.memory_space<hbm>>
      %dma_start3A_250 = arith.constant 0 : i32
      %dma_start3A_251 = tpu.memref_slice %arg3[%mul3A_2, %dma_start3A_250] : memref<1024x200xi32, #tpu.memory_space<hbm>> -> memref<32x200xi32, #tpu.memory_space<hbm>>
      tpu.enqueue_dma source(%dma_start3A_251 : memref<32x200xi32, #tpu.memory_space<hbm>>) target(%arg6 : memref<32x200xi32, #tpu.memory_space<vmem>>) target_semaphore(%run_scoped3A : memref<!tpu.dma_semaphore, #tpu.memory_space<semaphore_mem>>)
      %dma_wait3A_252 = arith.constant 0 : i32
      %dma_wait3A_253 = tpu.memref_slice %arg3[%mul3A_2, %dma_wait3A_252] : memref<1024x200xi32, #tpu.memory_space<hbm>> -> memref<32x200xi32, #tpu.memory_space<hbm>>
      %dma_wait3A_254 = arith.constant 0 : i32
      %dma_wait3A_255 = tpu.memref_slice %arg3[%mul3A_2, %dma_wait3A_254] : memref<1024x200xi32, #tpu.memory_space<hbm>> -> memref<32x200xi32, #tpu.memory_space<hbm>>
      tpu.wait_dma2 semaphore(%run_scoped3A : memref<!tpu.dma_semaphore, #tpu.memory_space<semaphore_mem>>) src(%dma_wait3A_255 : memref<32x200xi32, #tpu.memory_space<hbm>>) dst(%arg6 : memref<32x200xi32, #tpu.memory_space<vmem>>)
      tpu.yield
    }) : () -> ()
    %barrier3A = arith.constant 0 : index
    tpu.barrier barrier_id(%barrier3A)
    %dma_start3A = arith.constant 0 : i32
    %dma_start3A_5 = arith.constant 0 : i32
    %dma_start3A_6 = arith.constant 0 : i32
    %dma_start3A_7 = tpu.memref_slice %arg7[%dma_start3A_5, %dma_start3A_6] : memref<200x128xf32, #tpu.memory_space<vmem>> -> memref<128x128xf32, #tpu.memory_space<vmem>>
    %dma_start3A_8 = arith.constant 0 : i32
    %dma_start3A_9 = tpu.memref_slice %arg6[%dma_start3A, %dma_start3A_8] : memref<32x200xi32, #tpu.memory_space<vmem>> -> memref<1x128xi32, #tpu.memory_space<vmem>>
    %dma_start3A_10 = tpu.memref_squeeze %dma_start3A_9 : memref<1x128xi32, #tpu.memory_space<vmem>> -> memref<128xi32, #tpu.memory_space<vmem>>
    %dma_start3A_11 = arith.constant 0 : i32
    %dma_start3A_12 = arith.constant 0 : i32
    %dma_start3A_13 = tpu.memref_slice %arg5[%dma_start3A_11, %dma_start3A_12] : memref<1000x128xf32, #tpu.memory_space<vmem_shared>> -> memref<1000x128xf32, #tpu.memory_space<vmem_shared>>
    tpu.enqueue_indirect_dma source(%dma_start3A_13 : memref<1000x128xf32, #tpu.memory_space<vmem_shared>>) target(%dma_start3A_7 : memref<128x128xf32, #tpu.memory_space<vmem>>) offsets(%dma_start3A_10 : memref<128xi32, #tpu.memory_space<vmem>>) semaphore(%arg11 : memref<!tpu.dma_semaphore, #tpu.memory_space<semaphore_mem>>)
    %dma_start3A_14 = arith.constant 0 : i32
    %dma_start3A_15 = arith.constant 128 : i32
    %dma_start3A_16 = arith.constant 0 : i32
    %dma_start3A_17 = tpu.memref_slice %arg7[%dma_start3A_15, %dma_start3A_16] : memref<200x128xf32, #tpu.memory_space<vmem>> -> memref<72x128xf32, #tpu.memory_space<vmem>>
    %dma_start3A_18 = arith.constant 128 : i32
    %dma_start3A_19 = tpu.memref_slice %arg6[%dma_start3A_14, %dma_start3A_18] : memref<32x200xi32, #tpu.memory_space<vmem>> -> memref<1x72xi32, #tpu.memory_space<vmem>>
    %dma_start3A_20 = tpu.memref_squeeze %dma_start3A_19 : memref<1x72xi32, #tpu.memory_space<vmem>> -> memref<72xi32, #tpu.memory_space<vmem>>
    %dma_start3A_21 = arith.constant 0 : i32
    %dma_start3A_22 = arith.constant 0 : i32
    %dma_start3A_23 = tpu.memref_slice %arg5[%dma_start3A_21, %dma_start3A_22] : memref<1000x128xf32, #tpu.memory_space<vmem_shared>> -> memref<1000x128xf32, #tpu.memory_space<vmem_shared>>
    tpu.enqueue_indirect_dma source(%dma_start3A_23 : memref<1000x128xf32, #tpu.memory_space<vmem_shared>>) target(%dma_start3A_17 : memref<72x128xf32, #tpu.memory_space<vmem>>) offsets(%dma_start3A_20 : memref<72xi32, #tpu.memory_space<vmem>>) semaphore(%arg11 : memref<!tpu.dma_semaphore, #tpu.memory_space<semaphore_mem>>)
    %dma_start3A_24 = arith.constant 1 : i32
    %dma_start3A_25 = arith.constant 0 : i32
    %dma_start3A_26 = arith.constant 0 : i32
    %dma_start3A_27 = tpu.memref_slice %arg8[%dma_start3A_25, %dma_start3A_26] : memref<200x128xf32, #tpu.memory_space<vmem>> -> memref<128x128xf32, #tpu.memory_space<vmem>>
    %dma_start3A_28 = arith.constant 0 : i32
    %dma_start3A_29 = tpu.memref_slice %arg6[%dma_start3A_24, %dma_start3A_28] : memref<32x200xi32, #tpu.memory_space<vmem>> -> memref<1x128xi32, #tpu.memory_space<vmem>>
    %dma_start3A_30 = tpu.memref_squeeze %dma_start3A_29 : memref<1x128xi32, #tpu.memory_space<vmem>> -> memref<128xi32, #tpu.memory_space<vmem>>
    %dma_start3A_31 = arith.constant 0 : i32
    %dma_start3A_32 = arith.constant 0 : i32
    %dma_start3A_33 = tpu.memref_slice %arg5[%dma_start3A_31, %dma_start3A_32] : memref<1000x128xf32, #tpu.memory_space<vmem_shared>> -> memref<1000x128xf32, #tpu.memory_space<vmem_shared>>
    tpu.enqueue_indirect_dma source(%dma_start3A_33 : memref<1000x128xf32, #tpu.memory_space<vmem_shared>>) target(%dma_start3A_27 : memref<128x128xf32, #tpu.memory_space<vmem>>) offsets(%dma_start3A_30 : memref<128xi32, #tpu.memory_space<vmem>>) semaphore(%arg12 : memref<!tpu.dma_semaphore, #tpu.memory_space<semaphore_mem>>)
    %dma_start3A_34 = arith.constant 1 : i32
    %dma_start3A_35 = arith.constant 128 : i32
    %dma_start3A_36 = arith.constant 0 : i32
    %dma_start3A_37 = tpu.memref_slice %arg8[%dma_start3A_35, %dma_start3A_36] : memref<200x128xf32, #tpu.memory_space<vmem>> -> memref<72x128xf32, #tpu.memory_space<vmem>>
    %dma_start3A_38 = arith.constant 128 : i32
    %dma_start3A_39 = tpu.memref_slice %arg6[%dma_start3A_34, %dma_start3A_38] : memref<32x200xi32, #tpu.memory_space<vmem>> -> memref<1x72xi32, #tpu.memory_space<vmem>>
    %dma_start3A_40 = tpu.memref_squeeze %dma_start3A_39 : memref<1x72xi32, #tpu.memory_space<vmem>> -> memref<72xi32, #tpu.memory_space<vmem>>
    %dma_start3A_41 = arith.constant 0 : i32
    %dma_start3A_42 = arith.constant 0 : i32
    %dma_start3A_43 = tpu.memref_slice %arg5[%dma_start3A_41, %dma_start3A_42] : memref<1000x128xf32, #tpu.memory_space<vmem_shared>> -> memref<1000x128xf32, #tpu.memory_space<vmem_shared>>
    tpu.enqueue_indirect_dma source(%dma_start3A_43 : memref<1000x128xf32, #tpu.memory_space<vmem_shared>>) target(%dma_start3A_37 : memref<72x128xf32, #tpu.memory_space<vmem>>) offsets(%dma_start3A_40 : memref<72xi32, #tpu.memory_space<vmem>>) semaphore(%arg12 : memref<!tpu.dma_semaphore, #tpu.memory_space<semaphore_mem>>)
    %dma_start3A_44 = arith.constant 2 : i32
    %dma_start3A_45 = arith.constant 0 : i32
    %dma_start3A_46 = arith.constant 0 : i32
    %dma_start3A_47 = tpu.memref_slice %arg9[%dma_start3A_45, %dma_start3A_46] : memref<200x128xf32, #tpu.memory_space<vmem>> -> memref<128x128xf32, #tpu.memory_space<vmem>>
    %dma_start3A_48 = arith.constant 0 : i32
    %dma_start3A_49 = tpu.memref_slice %arg6[%dma_start3A_44, %dma_start3A_48] : memref<32x200xi32, #tpu.memory_space<vmem>> -> memref<1x128xi32, #tpu.memory_space<vmem>>
    %dma_start3A_50 = tpu.memref_squeeze %dma_start3A_49 : memref<1x128xi32, #tpu.memory_space<vmem>> -> memref<128xi32, #tpu.memory_space<vmem>>
    %dma_start3A_51 = arith.constant 0 : i32
    %dma_start3A_52 = arith.constant 0 : i32
    %dma_start3A_53 = tpu.memref_slice %arg5[%dma_start3A_51, %dma_start3A_52] : memref<1000x128xf32, #tpu.memory_space<vmem_shared>> -> memref<1000x128xf32, #tpu.memory_space<vmem_shared>>
    tpu.enqueue_indirect_dma source(%dma_start3A_53 : memref<1000x128xf32, #tpu.memory_space<vmem_shared>>) target(%dma_start3A_47 : memref<128x128xf32, #tpu.memory_space<vmem>>) offsets(%dma_start3A_50 : memref<128xi32, #tpu.memory_space<vmem>>) semaphore(%arg13 : memref<!tpu.dma_semaphore, #tpu.memory_space<semaphore_mem>>)
    %dma_start3A_54 = arith.constant 2 : i32
    %dma_start3A_55 = arith.constant 128 : i32
    %dma_start3A_56 = arith.constant 0 : i32
    %dma_start3A_57 = tpu.memref_slice %arg9[%dma_start3A_55, %dma_start3A_56] : memref<200x128xf32, #tpu.memory_space<vmem>> -> memref<72x128xf32, #tpu.memory_space<vmem>>
    %dma_start3A_58 = arith.constant 128 : i32
    %dma_start3A_59 = tpu.memref_slice %arg6[%dma_start3A_54, %dma_start3A_58] : memref<32x200xi32, #tpu.memory_space<vmem>> -> memref<1x72xi32, #tpu.memory_space<vmem>>
    %dma_start3A_60 = tpu.memref_squeeze %dma_start3A_59 : memref<1x72xi32, #tpu.memory_space<vmem>> -> memref<72xi32, #tpu.memory_space<vmem>>
    %dma_start3A_61 = arith.constant 0 : i32
    %dma_start3A_62 = arith.constant 0 : i32
    %dma_start3A_63 = tpu.memref_slice %arg5[%dma_start3A_61, %dma_start3A_62] : memref<1000x128xf32, #tpu.memory_space<vmem_shared>> -> memref<1000x128xf32, #tpu.memory_space<vmem_shared>>
    tpu.enqueue_indirect_dma source(%dma_start3A_63 : memref<1000x128xf32, #tpu.memory_space<vmem_shared>>) target(%dma_start3A_57 : memref<72x128xf32, #tpu.memory_space<vmem>>) offsets(%dma_start3A_60 : memref<72xi32, #tpu.memory_space<vmem>>) semaphore(%arg13 : memref<!tpu.dma_semaphore, #tpu.memory_space<semaphore_mem>>)
    %dma_start3A_64 = arith.constant 3 : i32
    %dma_start3A_65 = arith.constant 0 : i32
    %dma_start3A_66 = arith.constant 0 : i32
    %dma_start3A_67 = tpu.memref_slice %arg10[%dma_start3A_65, %dma_start3A_66] : memref<200x128xf32, #tpu.memory_space<vmem>> -> memref<128x128xf32, #tpu.memory_space<vmem>>
    %dma_start3A_68 = arith.constant 0 : i32
    %dma_start3A_69 = tpu.memref_slice %arg6[%dma_start3A_64, %dma_start3A_68] : memref<32x200xi32, #tpu.memory_space<vmem>> -> memref<1x128xi32, #tpu.memory_space<vmem>>
    %dma_start3A_70 = tpu.memref_squeeze %dma_start3A_69 : memref<1x128xi32, #tpu.memory_space<vmem>> -> memref<128xi32, #tpu.memory_space<vmem>>
    %dma_start3A_71 = arith.constant 0 : i32
    %dma_start3A_72 = arith.constant 0 : i32
    %dma_start3A_73 = tpu.memref_slice %arg5[%dma_start3A_71, %dma_start3A_72] : memref<1000x128xf32, #tpu.memory_space<vmem_shared>> -> memref<1000x128xf32, #tpu.memory_space<vmem_shared>>
    tpu.enqueue_indirect_dma source(%dma_start3A_73 : memref<1000x128xf32, #tpu.memory_space<vmem_shared>>) target(%dma_start3A_67 : memref<128x128xf32, #tpu.memory_space<vmem>>) offsets(%dma_start3A_70 : memref<128xi32, #tpu.memory_space<vmem>>) semaphore(%arg14 : memref<!tpu.dma_semaphore, #tpu.memory_space<semaphore_mem>>)
    %dma_start3A_74 = arith.constant 3 : i32
    %dma_start3A_75 = arith.constant 128 : i32
    %dma_start3A_76 = arith.constant 0 : i32
    %dma_start3A_77 = tpu.memref_slice %arg10[%dma_start3A_75, %dma_start3A_76] : memref<200x128xf32, #tpu.memory_space<vmem>> -> memref<72x128xf32, #tpu.memory_space<vmem>>
    %dma_start3A_78 = arith.constant 128 : i32
    %dma_start3A_79 = tpu.memref_slice %arg6[%dma_start3A_74, %dma_start3A_78] : memref<32x200xi32, #tpu.memory_space<vmem>> -> memref<1x72xi32, #tpu.memory_space<vmem>>
    %dma_start3A_80 = tpu.memref_squeeze %dma_start3A_79 : memref<1x72xi32, #tpu.memory_space<vmem>> -> memref<72xi32, #tpu.memory_space<vmem>>
    %dma_start3A_81 = arith.constant 0 : i32
    %dma_start3A_82 = arith.constant 0 : i32
    %dma_start3A_83 = tpu.memref_slice %arg5[%dma_start3A_81, %dma_start3A_82] : memref<1000x128xf32, #tpu.memory_space<vmem_shared>> -> memref<1000x128xf32, #tpu.memory_space<vmem_shared>>
    tpu.enqueue_indirect_dma source(%dma_start3A_83 : memref<1000x128xf32, #tpu.memory_space<vmem_shared>>) target(%dma_start3A_77 : memref<72x128xf32, #tpu.memory_space<vmem>>) offsets(%dma_start3A_80 : memref<72xi32, #tpu.memory_space<vmem>>) semaphore(%arg14 : memref<!tpu.dma_semaphore, #tpu.memory_space<semaphore_mem>>)
    %scan3A = arith.constant 0 : i32
    %scan3A_84 = arith.constant 0 : i32
    %scan3A_85 = arith.constant 7 : i32
    %scan3A_86 = arith.addi %scan3A_84, %scan3A_85 : i32
    %scan3A_87 = arith.constant 1 : i32
    scf.for %scan3A_248 = %scan3A_84 to %scan3A_86 step %scan3A_87  : i32 {
      %mul3A_249 = arith.constant 4 : i32
      %mul3A_250 = arith.muli %scan3A_248, %mul3A_249 : i32
      %add3A_251 = arith.constant 0 : i32
      %add3A_252 = arith.addi %mul3A_250, %add3A_251 : i32
      %dma_wait3A_253 = arith.constant 0 : i32
      %dma_wait3A_254 = arith.constant 0 : i32
      %dma_wait3A_255 = tpu.memref_slice %arg7[%dma_wait3A_253, %dma_wait3A_254] : memref<200x128xf32, #tpu.memory_space<vmem>> -> memref<128x128xf32, #tpu.memory_space<vmem>>
      %dma_wait3A_256 = arith.constant 0 : i32
      %dma_wait3A_257 = tpu.memref_slice %arg6[%add3A_252, %dma_wait3A_256] : memref<32x200xi32, #tpu.memory_space<vmem>> -> memref<1x128xi32, #tpu.memory_space<vmem>>
      %dma_wait3A_258 = tpu.memref_squeeze %dma_wait3A_257 : memref<1x128xi32, #tpu.memory_space<vmem>> -> memref<128xi32, #tpu.memory_space<vmem>>
      %dma_wait3A_259 = arith.constant 0 : i32
      %dma_wait3A_260 = arith.constant 0 : i32
      %dma_wait3A_261 = tpu.memref_slice %arg5[%dma_wait3A_259, %dma_wait3A_260] : memref<1000x128xf32, #tpu.memory_space<vmem_shared>> -> memref<1000x128xf32, #tpu.memory_space<vmem_shared>>
      tpu.wait_indirect_dma semaphore(%arg11 : memref<!tpu.dma_semaphore, #tpu.memory_space<semaphore_mem>>) src(%dma_wait3A_261 : memref<1000x128xf32, #tpu.memory_space<vmem_shared>>) dst(%dma_wait3A_255 : memref<128x128xf32, #tpu.memory_space<vmem>>)
      %dma_wait3A_262 = arith.constant 128 : i32
      %dma_wait3A_263 = arith.constant 0 : i32
      %dma_wait3A_264 = tpu.memref_slice %arg7[%dma_wait3A_262, %dma_wait3A_263] : memref<200x128xf32, #tpu.memory_space<vmem>> -> memref<72x128xf32, #tpu.memory_space<vmem>>
      %dma_wait3A_265 = arith.constant 128 : i32
      %dma_wait3A_266 = tpu.memref_slice %arg6[%add3A_252, %dma_wait3A_265] : memref<32x200xi32, #tpu.memory_space<vmem>> -> memref<1x72xi32, #tpu.memory_space<vmem>>
      %dma_wait3A_267 = tpu.memref_squeeze %dma_wait3A_266 : memref<1x72xi32, #tpu.memory_space<vmem>> -> memref<72xi32, #tpu.memory_space<vmem>>
      %dma_wait3A_268 = arith.constant 0 : i32
      %dma_wait3A_269 = arith.constant 0 : i32
      %dma_wait3A_270 = tpu.memref_slice %arg5[%dma_wait3A_268, %dma_wait3A_269] : memref<1000x128xf32, #tpu.memory_space<vmem_shared>> -> memref<1000x128xf32, #tpu.memory_space<vmem_shared>>
      tpu.wait_indirect_dma semaphore(%arg11 : memref<!tpu.dma_semaphore, #tpu.memory_space<semaphore_mem>>) src(%dma_wait3A_270 : memref<1000x128xf32, #tpu.memory_space<vmem_shared>>) dst(%dma_wait3A_264 : memref<72x128xf32, #tpu.memory_space<vmem>>)
      %add3A_271 = arith.addi %mul3A_2, %add3A_252 : i32
      %dma_start3A_272 = arith.constant 0 : i32
      %dma_start3A_273 = arith.constant 0 : i32
      %dma_start3A_274 = tpu.memref_slice %arg4[%add3A_271, %dma_start3A_272, %dma_start3A_273] : memref<1024x200x128xf32, #tpu.memory_space<hbm>> -> memref<1x200x128xf32, #tpu.memory_space<hbm>>
      %dma_start3A_275 = tpu.memref_squeeze %dma_start3A_274 : memref<1x200x128xf32, #tpu.memory_space<hbm>> -> memref<200x128xf32, #tpu.memory_space<hbm>>
      %dma_start3A_276 = arith.constant 0 : i32
      %dma_start3A_277 = arith.constant 0 : i32
      %dma_start3A_278 = tpu.memref_slice %arg4[%add3A_271, %dma_start3A_276, %dma_start3A_277] : memref<1024x200x128xf32, #tpu.memory_space<hbm>> -> memref<1x200x128xf32, #tpu.memory_space<hbm>>
      %dma_start3A_279 = tpu.memref_squeeze %dma_start3A_278 : memref<1x200x128xf32, #tpu.memory_space<hbm>> -> memref<200x128xf32, #tpu.memory_space<hbm>>
      tpu.enqueue_dma source(%arg7 : memref<200x128xf32, #tpu.memory_space<vmem>>) target(%dma_start3A_279 : memref<200x128xf32, #tpu.memory_space<hbm>>) target_semaphore(%arg15 : memref<!tpu.dma_semaphore, #tpu.memory_space<semaphore_mem>>)
      %add3A_280 = arith.addi %mul3A_2, %add3A_252 : i32
      %dma_wait3A_281 = arith.constant 0 : i32
      %dma_wait3A_282 = arith.constant 0 : i32
      %dma_wait3A_283 = tpu.memref_slice %arg4[%add3A_280, %dma_wait3A_281, %dma_wait3A_282] : memref<1024x200x128xf32, #tpu.memory_space<hbm>> -> memref<1x200x128xf32, #tpu.memory_space<hbm>>
      %dma_wait3A_284 = tpu.memref_squeeze %dma_wait3A_283 : memref<1x200x128xf32, #tpu.memory_space<hbm>> -> memref<200x128xf32, #tpu.memory_space<hbm>>
      %dma_wait3A_285 = arith.constant 0 : i32
      %dma_wait3A_286 = arith.constant 0 : i32
      %dma_wait3A_287 = tpu.memref_slice %arg4[%add3A_280, %dma_wait3A_285, %dma_wait3A_286] : memref<1024x200x128xf32, #tpu.memory_space<hbm>> -> memref<1x200x128xf32, #tpu.memory_space<hbm>>
      %dma_wait3A_288 = tpu.memref_squeeze %dma_wait3A_287 : memref<1x200x128xf32, #tpu.memory_space<hbm>> -> memref<200x128xf32, #tpu.memory_space<hbm>>
      tpu.wait_dma2 semaphore(%arg15 : memref<!tpu.dma_semaphore, #tpu.memory_space<semaphore_mem>>) src(%arg7 : memref<200x128xf32, #tpu.memory_space<vmem>>) dst(%dma_wait3A_288 : memref<200x128xf32, #tpu.memory_space<hbm>>)
      %add3A_289 = arith.constant 4 : i32
      %add3A_290 = arith.addi %add3A_252, %add3A_289 : i32
      %dma_start3A_291 = arith.constant 0 : i32
      %dma_start3A_292 = arith.constant 0 : i32
      %dma_start3A_293 = tpu.memref_slice %arg7[%dma_start3A_291, %dma_start3A_292] : memref<200x128xf32, #tpu.memory_space<vmem>> -> memref<128x128xf32, #tpu.memory_space<vmem>>
      %dma_start3A_294 = arith.constant 0 : i32
      %dma_start3A_295 = tpu.memref_slice %arg6[%add3A_290, %dma_start3A_294] : memref<32x200xi32, #tpu.memory_space<vmem>> -> memref<1x128xi32, #tpu.memory_space<vmem>>
      %dma_start3A_296 = tpu.memref_squeeze %dma_start3A_295 : memref<1x128xi32, #tpu.memory_space<vmem>> -> memref<128xi32, #tpu.memory_space<vmem>>
      %dma_start3A_297 = arith.constant 0 : i32
      %dma_start3A_298 = arith.constant 0 : i32
      %dma_start3A_299 = tpu.memref_slice %arg5[%dma_start3A_297, %dma_start3A_298] : memref<1000x128xf32, #tpu.memory_space<vmem_shared>> -> memref<1000x128xf32, #tpu.memory_space<vmem_shared>>
      tpu.enqueue_indirect_dma source(%dma_start3A_299 : memref<1000x128xf32, #tpu.memory_space<vmem_shared>>) target(%dma_start3A_293 : memref<128x128xf32, #tpu.memory_space<vmem>>) offsets(%dma_start3A_296 : memref<128xi32, #tpu.memory_space<vmem>>) semaphore(%arg11 : memref<!tpu.dma_semaphore, #tpu.memory_space<semaphore_mem>>)
      %dma_start3A_300 = arith.constant 128 : i32
      %dma_start3A_301 = arith.constant 0 : i32
      %dma_start3A_302 = tpu.memref_slice %arg7[%dma_start3A_300, %dma_start3A_301] : memref<200x128xf32, #tpu.memory_space<vmem>> -> memref<72x128xf32, #tpu.memory_space<vmem>>
      %dma_start3A_303 = arith.constant 128 : i32
      %dma_start3A_304 = tpu.memref_slice %arg6[%add3A_290, %dma_start3A_303] : memref<32x200xi32, #tpu.memory_space<vmem>> -> memref<1x72xi32, #tpu.memory_space<vmem>>
      %dma_start3A_305 = tpu.memref_squeeze %dma_start3A_304 : memref<1x72xi32, #tpu.memory_space<vmem>> -> memref<72xi32, #tpu.memory_space<vmem>>
      %dma_start3A_306 = arith.constant 0 : i32
      %dma_start3A_307 = arith.constant 0 : i32
      %dma_start3A_308 = tpu.memref_slice %arg5[%dma_start3A_306, %dma_start3A_307] : memref<1000x128xf32, #tpu.memory_space<vmem_shared>> -> memref<1000x128xf32, #tpu.memory_space<vmem_shared>>
      tpu.enqueue_indirect_dma source(%dma_start3A_308 : memref<1000x128xf32, #tpu.memory_space<vmem_shared>>) target(%dma_start3A_302 : memref<72x128xf32, #tpu.memory_space<vmem>>) offsets(%dma_start3A_305 : memref<72xi32, #tpu.memory_space<vmem>>) semaphore(%arg11 : memref<!tpu.dma_semaphore, #tpu.memory_space<semaphore_mem>>)
      %mul3A_309 = arith.constant 4 : i32
      %mul3A_310 = arith.muli %scan3A_248, %mul3A_309 : i32
      %add3A_311 = arith.constant 1 : i32
      %add3A_312 = arith.addi %mul3A_310, %add3A_311 : i32
      %dma_wait3A_313 = arith.constant 0 : i32
      %dma_wait3A_314 = arith.constant 0 : i32
      %dma_wait3A_315 = tpu.memref_slice %arg8[%dma_wait3A_313, %dma_wait3A_314] : memref<200x128xf32, #tpu.memory_space<vmem>> -> memref<128x128xf32, #tpu.memory_space<vmem>>
      %dma_wait3A_316 = arith.constant 0 : i32
      %dma_wait3A_317 = tpu.memref_slice %arg6[%add3A_312, %dma_wait3A_316] : memref<32x200xi32, #tpu.memory_space<vmem>> -> memref<1x128xi32, #tpu.memory_space<vmem>>
      %dma_wait3A_318 = tpu.memref_squeeze %dma_wait3A_317 : memref<1x128xi32, #tpu.memory_space<vmem>> -> memref<128xi32, #tpu.memory_space<vmem>>
      %dma_wait3A_319 = arith.constant 0 : i32
      %dma_wait3A_320 = arith.constant 0 : i32
      %dma_wait3A_321 = tpu.memref_slice %arg5[%dma_wait3A_319, %dma_wait3A_320] : memref<1000x128xf32, #tpu.memory_space<vmem_shared>> -> memref<1000x128xf32, #tpu.memory_space<vmem_shared>>
      tpu.wait_indirect_dma semaphore(%arg12 : memref<!tpu.dma_semaphore, #tpu.memory_space<semaphore_mem>>) src(%dma_wait3A_321 : memref<1000x128xf32, #tpu.memory_space<vmem_shared>>) dst(%dma_wait3A_315 : memref<128x128xf32, #tpu.memory_space<vmem>>)
      %dma_wait3A_322 = arith.constant 128 : i32
      %dma_wait3A_323 = arith.constant 0 : i32
      %dma_wait3A_324 = tpu.memref_slice %arg8[%dma_wait3A_322, %dma_wait3A_323] : memref<200x128xf32, #tpu.memory_space<vmem>> -> memref<72x128xf32, #tpu.memory_space<vmem>>
      %dma_wait3A_325 = arith.constant 128 : i32
      %dma_wait3A_326 = tpu.memref_slice %arg6[%add3A_312, %dma_wait3A_325] : memref<32x200xi32, #tpu.memory_space<vmem>> -> memref<1x72xi32, #tpu.memory_space<vmem>>
      %dma_wait3A_327 = tpu.memref_squeeze %dma_wait3A_326 : memref<1x72xi32, #tpu.memory_space<vmem>> -> memref<72xi32, #tpu.memory_space<vmem>>
      %dma_wait3A_328 = arith.constant 0 : i32
      %dma_wait3A_329 = arith.constant 0 : i32
      %dma_wait3A_330 = tpu.memref_slice %arg5[%dma_wait3A_328, %dma_wait3A_329] : memref<1000x128xf32, #tpu.memory_space<vmem_shared>> -> memref<1000x128xf32, #tpu.memory_space<vmem_shared>>
      tpu.wait_indirect_dma semaphore(%arg12 : memref<!tpu.dma_semaphore, #tpu.memory_space<semaphore_mem>>) src(%dma_wait3A_330 : memref<1000x128xf32, #tpu.memory_space<vmem_shared>>) dst(%dma_wait3A_324 : memref<72x128xf32, #tpu.memory_space<vmem>>)
      %add3A_331 = arith.addi %mul3A_2, %add3A_312 : i32
      %dma_start3A_332 = arith.constant 0 : i32
      %dma_start3A_333 = arith.constant 0 : i32
      %dma_start3A_334 = tpu.memref_slice %arg4[%add3A_331, %dma_start3A_332, %dma_start3A_333] : memref<1024x200x128xf32, #tpu.memory_space<hbm>> -> memref<1x200x128xf32, #tpu.memory_space<hbm>>
      %dma_start3A_335 = tpu.memref_squeeze %dma_start3A_334 : memref<1x200x128xf32, #tpu.memory_space<hbm>> -> memref<200x128xf32, #tpu.memory_space<hbm>>
      %dma_start3A_336 = arith.constant 0 : i32
      %dma_start3A_337 = arith.constant 0 : i32
      %dma_start3A_338 = tpu.memref_slice %arg4[%add3A_331, %dma_start3A_336, %dma_start3A_337] : memref<1024x200x128xf32, #tpu.memory_space<hbm>> -> memref<1x200x128xf32, #tpu.memory_space<hbm>>
      %dma_start3A_339 = tpu.memref_squeeze %dma_start3A_338 : memref<1x200x128xf32, #tpu.memory_space<hbm>> -> memref<200x128xf32, #tpu.memory_space<hbm>>
      tpu.enqueue_dma source(%arg8 : memref<200x128xf32, #tpu.memory_space<vmem>>) target(%dma_start3A_339 : memref<200x128xf32, #tpu.memory_space<hbm>>) target_semaphore(%arg16 : memref<!tpu.dma_semaphore, #tpu.memory_space<semaphore_mem>>)
      %add3A_340 = arith.addi %mul3A_2, %add3A_312 : i32
      %dma_wait3A_341 = arith.constant 0 : i32
      %dma_wait3A_342 = arith.constant 0 : i32
      %dma_wait3A_343 = tpu.memref_slice %arg4[%add3A_340, %dma_wait3A_341, %dma_wait3A_342] : memref<1024x200x128xf32, #tpu.memory_space<hbm>> -> memref<1x200x128xf32, #tpu.memory_space<hbm>>
      %dma_wait3A_344 = tpu.memref_squeeze %dma_wait3A_343 : memref<1x200x128xf32, #tpu.memory_space<hbm>> -> memref<200x128xf32, #tpu.memory_space<hbm>>
      %dma_wait3A_345 = arith.constant 0 : i32
      %dma_wait3A_346 = arith.constant 0 : i32
      %dma_wait3A_347 = tpu.memref_slice %arg4[%add3A_340, %dma_wait3A_345, %dma_wait3A_346] : memref<1024x200x128xf32, #tpu.memory_space<hbm>> -> memref<1x200x128xf32, #tpu.memory_space<hbm>>
      %dma_wait3A_348 = tpu.memref_squeeze %dma_wait3A_347 : memref<1x200x128xf32, #tpu.memory_space<hbm>> -> memref<200x128xf32, #tpu.memory_space<hbm>>
      tpu.wait_dma2 semaphore(%arg16 : memref<!tpu.dma_semaphore, #tpu.memory_space<semaphore_mem>>) src(%arg8 : memref<200x128xf32, #tpu.memory_space<vmem>>) dst(%dma_wait3A_348 : memref<200x128xf32, #tpu.memory_space<hbm>>)
      %add3A_349 = arith.constant 4 : i32
      %add3A_350 = arith.addi %add3A_312, %add3A_349 : i32
      %dma_start3A_351 = arith.constant 0 : i32
      %dma_start3A_352 = arith.constant 0 : i32
      %dma_start3A_353 = tpu.memref_slice %arg8[%dma_start3A_351, %dma_start3A_352] : memref<200x128xf32, #tpu.memory_space<vmem>> -> memref<128x128xf32, #tpu.memory_space<vmem>>
      %dma_start3A_354 = arith.constant 0 : i32
      %dma_start3A_355 = tpu.memref_slice %arg6[%add3A_350, %dma_start3A_354] : memref<32x200xi32, #tpu.memory_space<vmem>> -> memref<1x128xi32, #tpu.memory_space<vmem>>
      %dma_start3A_356 = tpu.memref_squeeze %dma_start3A_355 : memref<1x128xi32, #tpu.memory_space<vmem>> -> memref<128xi32, #tpu.memory_space<vmem>>
      %dma_start3A_357 = arith.constant 0 : i32
      %dma_start3A_358 = arith.constant 0 : i32
      %dma_start3A_359 = tpu.memref_slice %arg5[%dma_start3A_357, %dma_start3A_358] : memref<1000x128xf32, #tpu.memory_space<vmem_shared>> -> memref<1000x128xf32, #tpu.memory_space<vmem_shared>>
      tpu.enqueue_indirect_dma source(%dma_start3A_359 : memref<1000x128xf32, #tpu.memory_space<vmem_shared>>) target(%dma_start3A_353 : memref<128x128xf32, #tpu.memory_space<vmem>>) offsets(%dma_start3A_356 : memref<128xi32, #tpu.memory_space<vmem>>) semaphore(%arg12 : memref<!tpu.dma_semaphore, #tpu.memory_space<semaphore_mem>>)
      %dma_start3A_360 = arith.constant 128 : i32
      %dma_start3A_361 = arith.constant 0 : i32
      %dma_start3A_362 = tpu.memref_slice %arg8[%dma_start3A_360, %dma_start3A_361] : memref<200x128xf32, #tpu.memory_space<vmem>> -> memref<72x128xf32, #tpu.memory_space<vmem>>
      %dma_start3A_363 = arith.constant 128 : i32
      %dma_start3A_364 = tpu.memref_slice %arg6[%add3A_350, %dma_start3A_363] : memref<32x200xi32, #tpu.memory_space<vmem>> -> memref<1x72xi32, #tpu.memory_space<vmem>>
      %dma_start3A_365 = tpu.memref_squeeze %dma_start3A_364 : memref<1x72xi32, #tpu.memory_space<vmem>> -> memref<72xi32, #tpu.memory_space<vmem>>
      %dma_start3A_366 = arith.constant 0 : i32
      %dma_start3A_367 = arith.constant 0 : i32
      %dma_start3A_368 = tpu.memref_slice %arg5[%dma_start3A_366, %dma_start3A_367] : memref<1000x128xf32, #tpu.memory_space<vmem_shared>> -> memref<1000x128xf32, #tpu.memory_space<vmem_shared>>
      tpu.enqueue_indirect_dma source(%dma_start3A_368 : memref<1000x128xf32, #tpu.memory_space<vmem_shared>>) target(%dma_start3A_362 : memref<72x128xf32, #tpu.memory_space<vmem>>) offsets(%dma_start3A_365 : memref<72xi32, #tpu.memory_space<vmem>>) semaphore(%arg12 : memref<!tpu.dma_semaphore, #tpu.memory_space<semaphore_mem>>)
      %mul3A_369 = arith.constant 4 : i32
      %mul3A_370 = arith.muli %scan3A_248, %mul3A_369 : i32
      %add3A_371 = arith.constant 2 : i32
      %add3A_372 = arith.addi %mul3A_370, %add3A_371 : i32
      %dma_wait3A_373 = arith.constant 0 : i32
      %dma_wait3A_374 = arith.constant 0 : i32
      %dma_wait3A_375 = tpu.memref_slice %arg9[%dma_wait3A_373, %dma_wait3A_374] : memref<200x128xf32, #tpu.memory_space<vmem>> -> memref<128x128xf32, #tpu.memory_space<vmem>>
      %dma_wait3A_376 = arith.constant 0 : i32
      %dma_wait3A_377 = tpu.memref_slice %arg6[%add3A_372, %dma_wait3A_376] : memref<32x200xi32, #tpu.memory_space<vmem>> -> memref<1x128xi32, #tpu.memory_space<vmem>>
      %dma_wait3A_378 = tpu.memref_squeeze %dma_wait3A_377 : memref<1x128xi32, #tpu.memory_space<vmem>> -> memref<128xi32, #tpu.memory_space<vmem>>
      %dma_wait3A_379 = arith.constant 0 : i32
      %dma_wait3A_380 = arith.constant 0 : i32
      %dma_wait3A_381 = tpu.memref_slice %arg5[%dma_wait3A_379, %dma_wait3A_380] : memref<1000x128xf32, #tpu.memory_space<vmem_shared>> -> memref<1000x128xf32, #tpu.memory_space<vmem_shared>>
      tpu.wait_indirect_dma semaphore(%arg13 : memref<!tpu.dma_semaphore, #tpu.memory_space<semaphore_mem>>) src(%dma_wait3A_381 : memref<1000x128xf32, #tpu.memory_space<vmem_shared>>) dst(%dma_wait3A_375 : memref<128x128xf32, #tpu.memory_space<vmem>>)
      %dma_wait3A_382 = arith.constant 128 : i32
      %dma_wait3A_383 = arith.constant 0 : i32
      %dma_wait3A_384 = tpu.memref_slice %arg9[%dma_wait3A_382, %dma_wait3A_383] : memref<200x128xf32, #tpu.memory_space<vmem>> -> memref<72x128xf32, #tpu.memory_space<vmem>>
      %dma_wait3A_385 = arith.constant 128 : i32
      %dma_wait3A_386 = tpu.memref_slice %arg6[%add3A_372, %dma_wait3A_385] : memref<32x200xi32, #tpu.memory_space<vmem>> -> memref<1x72xi32, #tpu.memory_space<vmem>>
      %dma_wait3A_387 = tpu.memref_squeeze %dma_wait3A_386 : memref<1x72xi32, #tpu.memory_space<vmem>> -> memref<72xi32, #tpu.memory_space<vmem>>
      %dma_wait3A_388 = arith.constant 0 : i32
      %dma_wait3A_389 = arith.constant 0 : i32
      %dma_wait3A_390 = tpu.memref_slice %arg5[%dma_wait3A_388, %dma_wait3A_389] : memref<1000x128xf32, #tpu.memory_space<vmem_shared>> -> memref<1000x128xf32, #tpu.memory_space<vmem_shared>>
      tpu.wait_indirect_dma semaphore(%arg13 : memref<!tpu.dma_semaphore, #tpu.memory_space<semaphore_mem>>) src(%dma_wait3A_390 : memref<1000x128xf32, #tpu.memory_space<vmem_shared>>) dst(%dma_wait3A_384 : memref<72x128xf32, #tpu.memory_space<vmem>>)
      %add3A_391 = arith.addi %mul3A_2, %add3A_372 : i32
      %dma_start3A_392 = arith.constant 0 : i32
      %dma_start3A_393 = arith.constant 0 : i32
      %dma_start3A_394 = tpu.memref_slice %arg4[%add3A_391, %dma_start3A_392, %dma_start3A_393] : memref<1024x200x128xf32, #tpu.memory_space<hbm>> -> memref<1x200x128xf32, #tpu.memory_space<hbm>>
      %dma_start3A_395 = tpu.memref_squeeze %dma_start3A_394 : memref<1x200x128xf32, #tpu.memory_space<hbm>> -> memref<200x128xf32, #tpu.memory_space<hbm>>
      %dma_start3A_396 = arith.constant 0 : i32
      %dma_start3A_397 = arith.constant 0 : i32
      %dma_start3A_398 = tpu.memref_slice %arg4[%add3A_391, %dma_start3A_396, %dma_start3A_397] : memref<1024x200x128xf32, #tpu.memory_space<hbm>> -> memref<1x200x128xf32, #tpu.memory_space<hbm>>
      %dma_start3A_399 = tpu.memref_squeeze %dma_start3A_398 : memref<1x200x128xf32, #tpu.memory_space<hbm>> -> memref<200x128xf32, #tpu.memory_space<hbm>>
      tpu.enqueue_dma source(%arg9 : memref<200x128xf32, #tpu.memory_space<vmem>>) target(%dma_start3A_399 : memref<200x128xf32, #tpu.memory_space<hbm>>) target_semaphore(%arg17 : memref<!tpu.dma_semaphore, #tpu.memory_space<semaphore_mem>>)
      %add3A_400 = arith.addi %mul3A_2, %add3A_372 : i32
      %dma_wait3A_401 = arith.constant 0 : i32
      %dma_wait3A_402 = arith.constant 0 : i32
      %dma_wait3A_403 = tpu.memref_slice %arg4[%add3A_400, %dma_wait3A_401, %dma_wait3A_402] : memref<1024x200x128xf32, #tpu.memory_space<hbm>> -> memref<1x200x128xf32, #tpu.memory_space<hbm>>
      %dma_wait3A_404 = tpu.memref_squeeze %dma_wait3A_403 : memref<1x200x128xf32, #tpu.memory_space<hbm>> -> memref<200x128xf32, #tpu.memory_space<hbm>>
      %dma_wait3A_405 = arith.constant 0 : i32
      %dma_wait3A_406 = arith.constant 0 : i32
      %dma_wait3A_407 = tpu.memref_slice %arg4[%add3A_400, %dma_wait3A_405, %dma_wait3A_406] : memref<1024x200x128xf32, #tpu.memory_space<hbm>> -> memref<1x200x128xf32, #tpu.memory_space<hbm>>
      %dma_wait3A_408 = tpu.memref_squeeze %dma_wait3A_407 : memref<1x200x128xf32, #tpu.memory_space<hbm>> -> memref<200x128xf32, #tpu.memory_space<hbm>>
      tpu.wait_dma2 semaphore(%arg17 : memref<!tpu.dma_semaphore, #tpu.memory_space<semaphore_mem>>) src(%arg9 : memref<200x128xf32, #tpu.memory_space<vmem>>) dst(%dma_wait3A_408 : memref<200x128xf32, #tpu.memory_space<hbm>>)
      %add3A_409 = arith.constant 4 : i32
      %add3A_410 = arith.addi %add3A_372, %add3A_409 : i32
      %dma_start3A_411 = arith.constant 0 : i32
      %dma_start3A_412 = arith.constant 0 : i32
      %dma_start3A_413 = tpu.memref_slice %arg9[%dma_start3A_411, %dma_start3A_412] : memref<200x128xf32, #tpu.memory_space<vmem>> -> memref<128x128xf32, #tpu.memory_space<vmem>>
      %dma_start3A_414 = arith.constant 0 : i32
      %dma_start3A_415 = tpu.memref_slice %arg6[%add3A_410, %dma_start3A_414] : memref<32x200xi32, #tpu.memory_space<vmem>> -> memref<1x128xi32, #tpu.memory_space<vmem>>
      %dma_start3A_416 = tpu.memref_squeeze %dma_start3A_415 : memref<1x128xi32, #tpu.memory_space<vmem>> -> memref<128xi32, #tpu.memory_space<vmem>>
      %dma_start3A_417 = arith.constant 0 : i32
      %dma_start3A_418 = arith.constant 0 : i32
      %dma_start3A_419 = tpu.memref_slice %arg5[%dma_start3A_417, %dma_start3A_418] : memref<1000x128xf32, #tpu.memory_space<vmem_shared>> -> memref<1000x128xf32, #tpu.memory_space<vmem_shared>>
      tpu.enqueue_indirect_dma source(%dma_start3A_419 : memref<1000x128xf32, #tpu.memory_space<vmem_shared>>) target(%dma_start3A_413 : memref<128x128xf32, #tpu.memory_space<vmem>>) offsets(%dma_start3A_416 : memref<128xi32, #tpu.memory_space<vmem>>) semaphore(%arg13 : memref<!tpu.dma_semaphore, #tpu.memory_space<semaphore_mem>>)
      %dma_start3A_420 = arith.constant 128 : i32
      %dma_start3A_421 = arith.constant 0 : i32
      %dma_start3A_422 = tpu.memref_slice %arg9[%dma_start3A_420, %dma_start3A_421] : memref<200x128xf32, #tpu.memory_space<vmem>> -> memref<72x128xf32, #tpu.memory_space<vmem>>
      %dma_start3A_423 = arith.constant 128 : i32
      %dma_start3A_424 = tpu.memref_slice %arg6[%add3A_410, %dma_start3A_423] : memref<32x200xi32, #tpu.memory_space<vmem>> -> memref<1x72xi32, #tpu.memory_space<vmem>>
      %dma_start3A_425 = tpu.memref_squeeze %dma_start3A_424 : memref<1x72xi32, #tpu.memory_space<vmem>> -> memref<72xi32, #tpu.memory_space<vmem>>
      %dma_start3A_426 = arith.constant 0 : i32
      %dma_start3A_427 = arith.constant 0 : i32
      %dma_start3A_428 = tpu.memref_slice %arg5[%dma_start3A_426, %dma_start3A_427] : memref<1000x128xf32, #tpu.memory_space<vmem_shared>> -> memref<1000x128xf32, #tpu.memory_space<vmem_shared>>
      tpu.enqueue_indirect_dma source(%dma_start3A_428 : memref<1000x128xf32, #tpu.memory_space<vmem_shared>>) target(%dma_start3A_422 : memref<72x128xf32, #tpu.memory_space<vmem>>) offsets(%dma_start3A_425 : memref<72xi32, #tpu.memory_space<vmem>>) semaphore(%arg13 : memref<!tpu.dma_semaphore, #tpu.memory_space<semaphore_mem>>)
      %mul3A_429 = arith.constant 4 : i32
      %mul3A_430 = arith.muli %scan3A_248, %mul3A_429 : i32
      %add3A_431 = arith.constant 3 : i32
      %add3A_432 = arith.addi %mul3A_430, %add3A_431 : i32
      %dma_wait3A_433 = arith.constant 0 : i32
      %dma_wait3A_434 = arith.constant 0 : i32
      %dma_wait3A_435 = tpu.memref_slice %arg10[%dma_wait3A_433, %dma_wait3A_434] : memref<200x128xf32, #tpu.memory_space<vmem>> -> memref<128x128xf32, #tpu.memory_space<vmem>>
      %dma_wait3A_436 = arith.constant 0 : i32
      %dma_wait3A_437 = tpu.memref_slice %arg6[%add3A_432, %dma_wait3A_436] : memref<32x200xi32, #tpu.memory_space<vmem>> -> memref<1x128xi32, #tpu.memory_space<vmem>>
      %dma_wait3A_438 = tpu.memref_squeeze %dma_wait3A_437 : memref<1x128xi32, #tpu.memory_space<vmem>> -> memref<128xi32, #tpu.memory_space<vmem>>
      %dma_wait3A_439 = arith.constant 0 : i32
      %dma_wait3A_440 = arith.constant 0 : i32
      %dma_wait3A_441 = tpu.memref_slice %arg5[%dma_wait3A_439, %dma_wait3A_440] : memref<1000x128xf32, #tpu.memory_space<vmem_shared>> -> memref<1000x128xf32, #tpu.memory_space<vmem_shared>>
      tpu.wait_indirect_dma semaphore(%arg14 : memref<!tpu.dma_semaphore, #tpu.memory_space<semaphore_mem>>) src(%dma_wait3A_441 : memref<1000x128xf32, #tpu.memory_space<vmem_shared>>) dst(%dma_wait3A_435 : memref<128x128xf32, #tpu.memory_space<vmem>>)
      %dma_wait3A_442 = arith.constant 128 : i32
      %dma_wait3A_443 = arith.constant 0 : i32
      %dma_wait3A_444 = tpu.memref_slice %arg10[%dma_wait3A_442, %dma_wait3A_443] : memref<200x128xf32, #tpu.memory_space<vmem>> -> memref<72x128xf32, #tpu.memory_space<vmem>>
      %dma_wait3A_445 = arith.constant 128 : i32
      %dma_wait3A_446 = tpu.memref_slice %arg6[%add3A_432, %dma_wait3A_445] : memref<32x200xi32, #tpu.memory_space<vmem>> -> memref<1x72xi32, #tpu.memory_space<vmem>>
      %dma_wait3A_447 = tpu.memref_squeeze %dma_wait3A_446 : memref<1x72xi32, #tpu.memory_space<vmem>> -> memref<72xi32, #tpu.memory_space<vmem>>
      %dma_wait3A_448 = arith.constant 0 : i32
      %dma_wait3A_449 = arith.constant 0 : i32
      %dma_wait3A_450 = tpu.memref_slice %arg5[%dma_wait3A_448, %dma_wait3A_449] : memref<1000x128xf32, #tpu.memory_space<vmem_shared>> -> memref<1000x128xf32, #tpu.memory_space<vmem_shared>>
      tpu.wait_indirect_dma semaphore(%arg14 : memref<!tpu.dma_semaphore, #tpu.memory_space<semaphore_mem>>) src(%dma_wait3A_450 : memref<1000x128xf32, #tpu.memory_space<vmem_shared>>) dst(%dma_wait3A_444 : memref<72x128xf32, #tpu.memory_space<vmem>>)
      %add3A_451 = arith.addi %mul3A_2, %add3A_432 : i32
      %dma_start3A_452 = arith.constant 0 : i32
      %dma_start3A_453 = arith.constant 0 : i32
      %dma_start3A_454 = tpu.memref_slice %arg4[%add3A_451, %dma_start3A_452, %dma_start3A_453] : memref<1024x200x128xf32, #tpu.memory_space<hbm>> -> memref<1x200x128xf32, #tpu.memory_space<hbm>>
      %dma_start3A_455 = tpu.memref_squeeze %dma_start3A_454 : memref<1x200x128xf32, #tpu.memory_space<hbm>> -> memref<200x128xf32, #tpu.memory_space<hbm>>
      %dma_start3A_456 = arith.constant 0 : i32
      %dma_start3A_457 = arith.constant 0 : i32
      %dma_start3A_458 = tpu.memref_slice %arg4[%add3A_451, %dma_start3A_456, %dma_start3A_457] : memref<1024x200x128xf32, #tpu.memory_space<hbm>> -> memref<1x200x128xf32, #tpu.memory_space<hbm>>
      %dma_start3A_459 = tpu.memref_squeeze %dma_start3A_458 : memref<1x200x128xf32, #tpu.memory_space<hbm>> -> memref<200x128xf32, #tpu.memory_space<hbm>>
      tpu.enqueue_dma source(%arg10 : memref<200x128xf32, #tpu.memory_space<vmem>>) target(%dma_start3A_459 : memref<200x128xf32, #tpu.memory_space<hbm>>) target_semaphore(%arg18 : memref<!tpu.dma_semaphore, #tpu.memory_space<semaphore_mem>>)
      %add3A_460 = arith.addi %mul3A_2, %add3A_432 : i32
      %dma_wait3A_461 = arith.constant 0 : i32
      %dma_wait3A_462 = arith.constant 0 : i32
      %dma_wait3A_463 = tpu.memref_slice %arg4[%add3A_460, %dma_wait3A_461, %dma_wait3A_462] : memref<1024x200x128xf32, #tpu.memory_space<hbm>> -> memref<1x200x128xf32, #tpu.memory_space<hbm>>
      %dma_wait3A_464 = tpu.memref_squeeze %dma_wait3A_463 : memref<1x200x128xf32, #tpu.memory_space<hbm>> -> memref<200x128xf32, #tpu.memory_space<hbm>>
      %dma_wait3A_465 = arith.constant 0 : i32
      %dma_wait3A_466 = arith.constant 0 : i32
      %dma_wait3A_467 = tpu.memref_slice %arg4[%add3A_460, %dma_wait3A_465, %dma_wait3A_466] : memref<1024x200x128xf32, #tpu.memory_space<hbm>> -> memref<1x200x128xf32, #tpu.memory_space<hbm>>
      %dma_wait3A_468 = tpu.memref_squeeze %dma_wait3A_467 : memref<1x200x128xf32, #tpu.memory_space<hbm>> -> memref<200x128xf32, #tpu.memory_space<hbm>>
      tpu.wait_dma2 semaphore(%arg18 : memref<!tpu.dma_semaphore, #tpu.memory_space<semaphore_mem>>) src(%arg10 : memref<200x128xf32, #tpu.memory_space<vmem>>) dst(%dma_wait3A_468 : memref<200x128xf32, #tpu.memory_space<hbm>>)
      %add3A_469 = arith.constant 4 : i32
      %add3A_470 = arith.addi %add3A_432, %add3A_469 : i32
      %dma_start3A_471 = arith.constant 0 : i32
      %dma_start3A_472 = arith.constant 0 : i32
      %dma_start3A_473 = tpu.memref_slice %arg10[%dma_start3A_471, %dma_start3A_472] : memref<200x128xf32, #tpu.memory_space<vmem>> -> memref<128x128xf32, #tpu.memory_space<vmem>>
      %dma_start3A_474 = arith.constant 0 : i32
      %dma_start3A_475 = tpu.memref_slice %arg6[%add3A_470, %dma_start3A_474] : memref<32x200xi32, #tpu.memory_space<vmem>> -> memref<1x128xi32, #tpu.memory_space<vmem>>
      %dma_start3A_476 = tpu.memref_squeeze %dma_start3A_475 : memref<1x128xi32, #tpu.memory_space<vmem>> -> memref<128xi32, #tpu.memory_space<vmem>>
      %dma_start3A_477 = arith.constant 0 : i32
      %dma_start3A_478 = arith.constant 0 : i32
      %dma_start3A_479 = tpu.memref_slice %arg5[%dma_start3A_477, %dma_start3A_478] : memref<1000x128xf32, #tpu.memory_space<vmem_shared>> -> memref<1000x128xf32, #tpu.memory_space<vmem_shared>>
      tpu.enqueue_indirect_dma source(%dma_start3A_479 : memref<1000x128xf32, #tpu.memory_space<vmem_shared>>) target(%dma_start3A_473 : memref<128x128xf32, #tpu.memory_space<vmem>>) offsets(%dma_start3A_476 : memref<128xi32, #tpu.memory_space<vmem>>) semaphore(%arg14 : memref<!tpu.dma_semaphore, #tpu.memory_space<semaphore_mem>>)
      %dma_start3A_480 = arith.constant 128 : i32
      %dma_start3A_481 = arith.constant 0 : i32
      %dma_start3A_482 = tpu.memref_slice %arg10[%dma_start3A_480, %dma_start3A_481] : memref<200x128xf32, #tpu.memory_space<vmem>> -> memref<72x128xf32, #tpu.memory_space<vmem>>
      %dma_start3A_483 = arith.constant 128 : i32
      %dma_start3A_484 = tpu.memref_slice %arg6[%add3A_470, %dma_start3A_483] : memref<32x200xi32, #tpu.memory_space<vmem>> -> memref<1x72xi32, #tpu.memory_space<vmem>>
      %dma_start3A_485 = tpu.memref_squeeze %dma_start3A_484 : memref<1x72xi32, #tpu.memory_space<vmem>> -> memref<72xi32, #tpu.memory_space<vmem>>
      %dma_start3A_486 = arith.constant 0 : i32
      %dma_start3A_487 = arith.constant 0 : i32
      %dma_start3A_488 = tpu.memref_slice %arg5[%dma_start3A_486, %dma_start3A_487] : memref<1000x128xf32, #tpu.memory_space<vmem_shared>> -> memref<1000x128xf32, #tpu.memory_space<vmem_shared>>
      tpu.enqueue_indirect_dma source(%dma_start3A_488 : memref<1000x128xf32, #tpu.memory_space<vmem_shared>>) target(%dma_start3A_482 : memref<72x128xf32, #tpu.memory_space<vmem>>) offsets(%dma_start3A_485 : memref<72xi32, #tpu.memory_space<vmem>>) semaphore(%arg14 : memref<!tpu.dma_semaphore, #tpu.memory_space<semaphore_mem>>)
    }
    %scan3A_88 = arith.constant 7 : i32
    %dma_wait3A = arith.constant 28 : i32
    %dma_wait3A_89 = arith.constant 0 : i32
    %dma_wait3A_90 = arith.constant 0 : i32
    %dma_wait3A_91 = tpu.memref_slice %arg7[%dma_wait3A_89, %dma_wait3A_90] : memref<200x128xf32, #tpu.memory_space<vmem>> -> memref<128x128xf32, #tpu.memory_space<vmem>>
    %dma_wait3A_92 = arith.constant 0 : i32
    %dma_wait3A_93 = tpu.memref_slice %arg6[%dma_wait3A, %dma_wait3A_92] : memref<32x200xi32, #tpu.memory_space<vmem>> -> memref<1x128xi32, #tpu.memory_space<vmem>>
    %dma_wait3A_94 = tpu.memref_squeeze %dma_wait3A_93 : memref<1x128xi32, #tpu.memory_space<vmem>> -> memref<128xi32, #tpu.memory_space<vmem>>
    %dma_wait3A_95 = arith.constant 0 : i32
    %dma_wait3A_96 = arith.constant 0 : i32
    %dma_wait3A_97 = tpu.memref_slice %arg5[%dma_wait3A_95, %dma_wait3A_96] : memref<1000x128xf32, #tpu.memory_space<vmem_shared>> -> memref<1000x128xf32, #tpu.memory_space<vmem_shared>>
    tpu.wait_indirect_dma semaphore(%arg11 : memref<!tpu.dma_semaphore, #tpu.memory_space<semaphore_mem>>) src(%dma_wait3A_97 : memref<1000x128xf32, #tpu.memory_space<vmem_shared>>) dst(%dma_wait3A_91 : memref<128x128xf32, #tpu.memory_space<vmem>>)
    %dma_wait3A_98 = arith.constant 28 : i32
    %dma_wait3A_99 = arith.constant 128 : i32
    %dma_wait3A_100 = arith.constant 0 : i32
    %dma_wait3A_101 = tpu.memref_slice %arg7[%dma_wait3A_99, %dma_wait3A_100] : memref<200x128xf32, #tpu.memory_space<vmem>> -> memref<72x128xf32, #tpu.memory_space<vmem>>
    %dma_wait3A_102 = arith.constant 128 : i32
    %dma_wait3A_103 = tpu.memref_slice %arg6[%dma_wait3A_98, %dma_wait3A_102] : memref<32x200xi32, #tpu.memory_space<vmem>> -> memref<1x72xi32, #tpu.memory_space<vmem>>
    %dma_wait3A_104 = tpu.memref_squeeze %dma_wait3A_103 : memref<1x72xi32, #tpu.memory_space<vmem>> -> memref<72xi32, #tpu.memory_space<vmem>>
    %dma_wait3A_105 = arith.constant 0 : i32
    %dma_wait3A_106 = arith.constant 0 : i32
    %dma_wait3A_107 = tpu.memref_slice %arg5[%dma_wait3A_105, %dma_wait3A_106] : memref<1000x128xf32, #tpu.memory_space<vmem_shared>> -> memref<1000x128xf32, #tpu.memory_space<vmem_shared>>
    tpu.wait_indirect_dma semaphore(%arg11 : memref<!tpu.dma_semaphore, #tpu.memory_space<semaphore_mem>>) src(%dma_wait3A_107 : memref<1000x128xf32, #tpu.memory_space<vmem_shared>>) dst(%dma_wait3A_101 : memref<72x128xf32, #tpu.memory_space<vmem>>)
    %add3A_108 = arith.constant 28 : i32
    %add3A_109 = arith.addi %mul3A_2, %add3A_108 : i32
    %dma_start3A_110 = arith.constant 0 : i32
    %dma_start3A_111 = arith.constant 0 : i32
    %dma_start3A_112 = tpu.memref_slice %arg4[%add3A_109, %dma_start3A_110, %dma_start3A_111] : memref<1024x200x128xf32, #tpu.memory_space<hbm>> -> memref<1x200x128xf32, #tpu.memory_space<hbm>>
    %dma_start3A_113 = tpu.memref_squeeze %dma_start3A_112 : memref<1x200x128xf32, #tpu.memory_space<hbm>> -> memref<200x128xf32, #tpu.memory_space<hbm>>
    %dma_start3A_114 = arith.constant 0 : i32
    %dma_start3A_115 = arith.constant 0 : i32
    %dma_start3A_116 = tpu.memref_slice %arg4[%add3A_109, %dma_start3A_114, %dma_start3A_115] : memref<1024x200x128xf32, #tpu.memory_space<hbm>> -> memref<1x200x128xf32, #tpu.memory_space<hbm>>
    %dma_start3A_117 = tpu.memref_squeeze %dma_start3A_116 : memref<1x200x128xf32, #tpu.memory_space<hbm>> -> memref<200x128xf32, #tpu.memory_space<hbm>>
    tpu.enqueue_dma source(%arg7 : memref<200x128xf32, #tpu.memory_space<vmem>>) target(%dma_start3A_117 : memref<200x128xf32, #tpu.memory_space<hbm>>) target_semaphore(%arg15 : memref<!tpu.dma_semaphore, #tpu.memory_space<semaphore_mem>>)
    %dma_wait3A_118 = arith.constant 29 : i32
    %dma_wait3A_119 = arith.constant 0 : i32
    %dma_wait3A_120 = arith.constant 0 : i32
    %dma_wait3A_121 = tpu.memref_slice %arg8[%dma_wait3A_119, %dma_wait3A_120] : memref<200x128xf32, #tpu.memory_space<vmem>> -> memref<128x128xf32, #tpu.memory_space<vmem>>
    %dma_wait3A_122 = arith.constant 0 : i32
    %dma_wait3A_123 = tpu.memref_slice %arg6[%dma_wait3A_118, %dma_wait3A_122] : memref<32x200xi32, #tpu.memory_space<vmem>> -> memref<1x128xi32, #tpu.memory_space<vmem>>
    %dma_wait3A_124 = tpu.memref_squeeze %dma_wait3A_123 : memref<1x128xi32, #tpu.memory_space<vmem>> -> memref<128xi32, #tpu.memory_space<vmem>>
    %dma_wait3A_125 = arith.constant 0 : i32
    %dma_wait3A_126 = arith.constant 0 : i32
    %dma_wait3A_127 = tpu.memref_slice %arg5[%dma_wait3A_125, %dma_wait3A_126] : memref<1000x128xf32, #tpu.memory_space<vmem_shared>> -> memref<1000x128xf32, #tpu.memory_space<vmem_shared>>
    tpu.wait_indirect_dma semaphore(%arg12 : memref<!tpu.dma_semaphore, #tpu.memory_space<semaphore_mem>>) src(%dma_wait3A_127 : memref<1000x128xf32, #tpu.memory_space<vmem_shared>>) dst(%dma_wait3A_121 : memref<128x128xf32, #tpu.memory_space<vmem>>)
    %dma_wait3A_128 = arith.constant 29 : i32
    %dma_wait3A_129 = arith.constant 128 : i32
    %dma_wait3A_130 = arith.constant 0 : i32
    %dma_wait3A_131 = tpu.memref_slice %arg8[%dma_wait3A_129, %dma_wait3A_130] : memref<200x128xf32, #tpu.memory_space<vmem>> -> memref<72x128xf32, #tpu.memory_space<vmem>>
    %dma_wait3A_132 = arith.constant 128 : i32
    %dma_wait3A_133 = tpu.memref_slice %arg6[%dma_wait3A_128, %dma_wait3A_132] : memref<32x200xi32, #tpu.memory_space<vmem>> -> memref<1x72xi32, #tpu.memory_space<vmem>>
    %dma_wait3A_134 = tpu.memref_squeeze %dma_wait3A_133 : memref<1x72xi32, #tpu.memory_space<vmem>> -> memref<72xi32, #tpu.memory_space<vmem>>
    %dma_wait3A_135 = arith.constant 0 : i32
    %dma_wait3A_136 = arith.constant 0 : i32
    %dma_wait3A_137 = tpu.memref_slice %arg5[%dma_wait3A_135, %dma_wait3A_136] : memref<1000x128xf32, #tpu.memory_space<vmem_shared>> -> memref<1000x128xf32, #tpu.memory_space<vmem_shared>>
    tpu.wait_indirect_dma semaphore(%arg12 : memref<!tpu.dma_semaphore, #tpu.memory_space<semaphore_mem>>) src(%dma_wait3A_137 : memref<1000x128xf32, #tpu.memory_space<vmem_shared>>) dst(%dma_wait3A_131 : memref<72x128xf32, #tpu.memory_space<vmem>>)
    %add3A_138 = arith.constant 29 : i32
    %add3A_139 = arith.addi %mul3A_2, %add3A_138 : i32
    %dma_start3A_140 = arith.constant 0 : i32
    %dma_start3A_141 = arith.constant 0 : i32
    %dma_start3A_142 = tpu.memref_slice %arg4[%add3A_139, %dma_start3A_140, %dma_start3A_141] : memref<1024x200x128xf32, #tpu.memory_space<hbm>> -> memref<1x200x128xf32, #tpu.memory_space<hbm>>
    %dma_start3A_143 = tpu.memref_squeeze %dma_start3A_142 : memref<1x200x128xf32, #tpu.memory_space<hbm>> -> memref<200x128xf32, #tpu.memory_space<hbm>>
    %dma_start3A_144 = arith.constant 0 : i32
    %dma_start3A_145 = arith.constant 0 : i32
    %dma_start3A_146 = tpu.memref_slice %arg4[%add3A_139, %dma_start3A_144, %dma_start3A_145] : memref<1024x200x128xf32, #tpu.memory_space<hbm>> -> memref<1x200x128xf32, #tpu.memory_space<hbm>>
    %dma_start3A_147 = tpu.memref_squeeze %dma_start3A_146 : memref<1x200x128xf32, #tpu.memory_space<hbm>> -> memref<200x128xf32, #tpu.memory_space<hbm>>
    tpu.enqueue_dma source(%arg8 : memref<200x128xf32, #tpu.memory_space<vmem>>) target(%dma_start3A_147 : memref<200x128xf32, #tpu.memory_space<hbm>>) target_semaphore(%arg16 : memref<!tpu.dma_semaphore, #tpu.memory_space<semaphore_mem>>)
    %dma_wait3A_148 = arith.constant 30 : i32
    %dma_wait3A_149 = arith.constant 0 : i32
    %dma_wait3A_150 = arith.constant 0 : i32
    %dma_wait3A_151 = tpu.memref_slice %arg9[%dma_wait3A_149, %dma_wait3A_150] : memref<200x128xf32, #tpu.memory_space<vmem>> -> memref<128x128xf32, #tpu.memory_space<vmem>>
    %dma_wait3A_152 = arith.constant 0 : i32
    %dma_wait3A_153 = tpu.memref_slice %arg6[%dma_wait3A_148, %dma_wait3A_152] : memref<32x200xi32, #tpu.memory_space<vmem>> -> memref<1x128xi32, #tpu.memory_space<vmem>>
    %dma_wait3A_154 = tpu.memref_squeeze %dma_wait3A_153 : memref<1x128xi32, #tpu.memory_space<vmem>> -> memref<128xi32, #tpu.memory_space<vmem>>
    %dma_wait3A_155 = arith.constant 0 : i32
    %dma_wait3A_156 = arith.constant 0 : i32
    %dma_wait3A_157 = tpu.memref_slice %arg5[%dma_wait3A_155, %dma_wait3A_156] : memref<1000x128xf32, #tpu.memory_space<vmem_shared>> -> memref<1000x128xf32, #tpu.memory_space<vmem_shared>>
    tpu.wait_indirect_dma semaphore(%arg13 : memref<!tpu.dma_semaphore, #tpu.memory_space<semaphore_mem>>) src(%dma_wait3A_157 : memref<1000x128xf32, #tpu.memory_space<vmem_shared>>) dst(%dma_wait3A_151 : memref<128x128xf32, #tpu.memory_space<vmem>>)
    %dma_wait3A_158 = arith.constant 30 : i32
    %dma_wait3A_159 = arith.constant 128 : i32
    %dma_wait3A_160 = arith.constant 0 : i32
    %dma_wait3A_161 = tpu.memref_slice %arg9[%dma_wait3A_159, %dma_wait3A_160] : memref<200x128xf32, #tpu.memory_space<vmem>> -> memref<72x128xf32, #tpu.memory_space<vmem>>
    %dma_wait3A_162 = arith.constant 128 : i32
    %dma_wait3A_163 = tpu.memref_slice %arg6[%dma_wait3A_158, %dma_wait3A_162] : memref<32x200xi32, #tpu.memory_space<vmem>> -> memref<1x72xi32, #tpu.memory_space<vmem>>
    %dma_wait3A_164 = tpu.memref_squeeze %dma_wait3A_163 : memref<1x72xi32, #tpu.memory_space<vmem>> -> memref<72xi32, #tpu.memory_space<vmem>>
    %dma_wait3A_165 = arith.constant 0 : i32
    %dma_wait3A_166 = arith.constant 0 : i32
    %dma_wait3A_167 = tpu.memref_slice %arg5[%dma_wait3A_165, %dma_wait3A_166] : memref<1000x128xf32, #tpu.memory_space<vmem_shared>> -> memref<1000x128xf32, #tpu.memory_space<vmem_shared>>
    tpu.wait_indirect_dma semaphore(%arg13 : memref<!tpu.dma_semaphore, #tpu.memory_space<semaphore_mem>>) src(%dma_wait3A_167 : memref<1000x128xf32, #tpu.memory_space<vmem_shared>>) dst(%dma_wait3A_161 : memref<72x128xf32, #tpu.memory_space<vmem>>)
    %add3A_168 = arith.constant 30 : i32
    %add3A_169 = arith.addi %mul3A_2, %add3A_168 : i32
    %dma_start3A_170 = arith.constant 0 : i32
    %dma_start3A_171 = arith.constant 0 : i32
    %dma_start3A_172 = tpu.memref_slice %arg4[%add3A_169, %dma_start3A_170, %dma_start3A_171] : memref<1024x200x128xf32, #tpu.memory_space<hbm>> -> memref<1x200x128xf32, #tpu.memory_space<hbm>>
    %dma_start3A_173 = tpu.memref_squeeze %dma_start3A_172 : memref<1x200x128xf32, #tpu.memory_space<hbm>> -> memref<200x128xf32, #tpu.memory_space<hbm>>
    %dma_start3A_174 = arith.constant 0 : i32
    %dma_start3A_175 = arith.constant 0 : i32
    %dma_start3A_176 = tpu.memref_slice %arg4[%add3A_169, %dma_start3A_174, %dma_start3A_175] : memref<1024x200x128xf32, #tpu.memory_space<hbm>> -> memref<1x200x128xf32, #tpu.memory_space<hbm>>
    %dma_start3A_177 = tpu.memref_squeeze %dma_start3A_176 : memref<1x200x128xf32, #tpu.memory_space<hbm>> -> memref<200x128xf32, #tpu.memory_space<hbm>>
    tpu.enqueue_dma source(%arg9 : memref<200x128xf32, #tpu.memory_space<vmem>>) target(%dma_start3A_177 : memref<200x128xf32, #tpu.memory_space<hbm>>) target_semaphore(%arg17 : memref<!tpu.dma_semaphore, #tpu.memory_space<semaphore_mem>>)
    %dma_wait3A_178 = arith.constant 31 : i32
    %dma_wait3A_179 = arith.constant 0 : i32
    %dma_wait3A_180 = arith.constant 0 : i32
    %dma_wait3A_181 = tpu.memref_slice %arg10[%dma_wait3A_179, %dma_wait3A_180] : memref<200x128xf32, #tpu.memory_space<vmem>> -> memref<128x128xf32, #tpu.memory_space<vmem>>
    %dma_wait3A_182 = arith.constant 0 : i32
    %dma_wait3A_183 = tpu.memref_slice %arg6[%dma_wait3A_178, %dma_wait3A_182] : memref<32x200xi32, #tpu.memory_space<vmem>> -> memref<1x128xi32, #tpu.memory_space<vmem>>
    %dma_wait3A_184 = tpu.memref_squeeze %dma_wait3A_183 : memref<1x128xi32, #tpu.memory_space<vmem>> -> memref<128xi32, #tpu.memory_space<vmem>>
    %dma_wait3A_185 = arith.constant 0 : i32
    %dma_wait3A_186 = arith.constant 0 : i32
    %dma_wait3A_187 = tpu.memref_slice %arg5[%dma_wait3A_185, %dma_wait3A_186] : memref<1000x128xf32, #tpu.memory_space<vmem_shared>> -> memref<1000x128xf32, #tpu.memory_space<vmem_shared>>
    tpu.wait_indirect_dma semaphore(%arg14 : memref<!tpu.dma_semaphore, #tpu.memory_space<semaphore_mem>>) src(%dma_wait3A_187 : memref<1000x128xf32, #tpu.memory_space<vmem_shared>>) dst(%dma_wait3A_181 : memref<128x128xf32, #tpu.memory_space<vmem>>)
    %dma_wait3A_188 = arith.constant 31 : i32
    %dma_wait3A_189 = arith.constant 128 : i32
    %dma_wait3A_190 = arith.constant 0 : i32
    %dma_wait3A_191 = tpu.memref_slice %arg10[%dma_wait3A_189, %dma_wait3A_190] : memref<200x128xf32, #tpu.memory_space<vmem>> -> memref<72x128xf32, #tpu.memory_space<vmem>>
    %dma_wait3A_192 = arith.constant 128 : i32
    %dma_wait3A_193 = tpu.memref_slice %arg6[%dma_wait3A_188, %dma_wait3A_192] : memref<32x200xi32, #tpu.memory_space<vmem>> -> memref<1x72xi32, #tpu.memory_space<vmem>>
    %dma_wait3A_194 = tpu.memref_squeeze %dma_wait3A_193 : memref<1x72xi32, #tpu.memory_space<vmem>> -> memref<72xi32, #tpu.memory_space<vmem>>
    %dma_wait3A_195 = arith.constant 0 : i32
    %dma_wait3A_196 = arith.constant 0 : i32
    %dma_wait3A_197 = tpu.memref_slice %arg5[%dma_wait3A_195, %dma_wait3A_196] : memref<1000x128xf32, #tpu.memory_space<vmem_shared>> -> memref<1000x128xf32, #tpu.memory_space<vmem_shared>>
    tpu.wait_indirect_dma semaphore(%arg14 : memref<!tpu.dma_semaphore, #tpu.memory_space<semaphore_mem>>) src(%dma_wait3A_197 : memref<1000x128xf32, #tpu.memory_space<vmem_shared>>) dst(%dma_wait3A_191 : memref<72x128xf32, #tpu.memory_space<vmem>>)
    %add3A_198 = arith.constant 31 : i32
    %add3A_199 = arith.addi %mul3A_2, %add3A_198 : i32
    %dma_start3A_200 = arith.constant 0 : i32
    %dma_start3A_201 = arith.constant 0 : i32
    %dma_start3A_202 = tpu.memref_slice %arg4[%add3A_199, %dma_start3A_200, %dma_start3A_201] : memref<1024x200x128xf32, #tpu.memory_space<hbm>> -> memref<1x200x128xf32, #tpu.memory_space<hbm>>
    %dma_start3A_203 = tpu.memref_squeeze %dma_start3A_202 : memref<1x200x128xf32, #tpu.memory_space<hbm>> -> memref<200x128xf32, #tpu.memory_space<hbm>>
    %dma_start3A_204 = arith.constant 0 : i32
    %dma_start3A_205 = arith.constant 0 : i32
    %dma_start3A_206 = tpu.memref_slice %arg4[%add3A_199, %dma_start3A_204, %dma_start3A_205] : memref<1024x200x128xf32, #tpu.memory_space<hbm>> -> memref<1x200x128xf32, #tpu.memory_space<hbm>>
    %dma_start3A_207 = tpu.memref_squeeze %dma_start3A_206 : memref<1x200x128xf32, #tpu.memory_space<hbm>> -> memref<200x128xf32, #tpu.memory_space<hbm>>
    tpu.enqueue_dma source(%arg10 : memref<200x128xf32, #tpu.memory_space<vmem>>) target(%dma_start3A_207 : memref<200x128xf32, #tpu.memory_space<hbm>>) target_semaphore(%arg18 : memref<!tpu.dma_semaphore, #tpu.memory_space<semaphore_mem>>)
    %add3A_208 = arith.constant 28 : i32
    %add3A_209 = arith.addi %mul3A_2, %add3A_208 : i32
    %dma_wait3A_210 = arith.constant 0 : i32
    %dma_wait3A_211 = arith.constant 0 : i32
    %dma_wait3A_212 = tpu.memref_slice %arg4[%add3A_209, %dma_wait3A_210, %dma_wait3A_211] : memref<1024x200x128xf32, #tpu.memory_space<hbm>> -> memref<1x200x128xf32, #tpu.memory_space<hbm>>
    %dma_wait3A_213 = tpu.memref_squeeze %dma_wait3A_212 : memref<1x200x128xf32, #tpu.memory_space<hbm>> -> memref<200x128xf32, #tpu.memory_space<hbm>>
    %dma_wait3A_214 = arith.constant 0 : i32
    %dma_wait3A_215 = arith.constant 0 : i32
    %dma_wait3A_216 = tpu.memref_slice %arg4[%add3A_209, %dma_wait3A_214, %dma_wait3A_215] : memref<1024x200x128xf32, #tpu.memory_space<hbm>> -> memref<1x200x128xf32, #tpu.memory_space<hbm>>
    %dma_wait3A_217 = tpu.memref_squeeze %dma_wait3A_216 : memref<1x200x128xf32, #tpu.memory_space<hbm>> -> memref<200x128xf32, #tpu.memory_space<hbm>>
    tpu.wait_dma2 semaphore(%arg15 : memref<!tpu.dma_semaphore, #tpu.memory_space<semaphore_mem>>) src(%arg7 : memref<200x128xf32, #tpu.memory_space<vmem>>) dst(%dma_wait3A_217 : memref<200x128xf32, #tpu.memory_space<hbm>>)
    %add3A_218 = arith.constant 29 : i32
    %add3A_219 = arith.addi %mul3A_2, %add3A_218 : i32
    %dma_wait3A_220 = arith.constant 0 : i32
    %dma_wait3A_221 = arith.constant 0 : i32
    %dma_wait3A_222 = tpu.memref_slice %arg4[%add3A_219, %dma_wait3A_220, %dma_wait3A_221] : memref<1024x200x128xf32, #tpu.memory_space<hbm>> -> memref<1x200x128xf32, #tpu.memory_space<hbm>>
    %dma_wait3A_223 = tpu.memref_squeeze %dma_wait3A_222 : memref<1x200x128xf32, #tpu.memory_space<hbm>> -> memref<200x128xf32, #tpu.memory_space<hbm>>
    %dma_wait3A_224 = arith.constant 0 : i32
    %dma_wait3A_225 = arith.constant 0 : i32
    %dma_wait3A_226 = tpu.memref_slice %arg4[%add3A_219, %dma_wait3A_224, %dma_wait3A_225] : memref<1024x200x128xf32, #tpu.memory_space<hbm>> -> memref<1x200x128xf32, #tpu.memory_space<hbm>>
    %dma_wait3A_227 = tpu.memref_squeeze %dma_wait3A_226 : memref<1x200x128xf32, #tpu.memory_space<hbm>> -> memref<200x128xf32, #tpu.memory_space<hbm>>
    tpu.wait_dma2 semaphore(%arg16 : memref<!tpu.dma_semaphore, #tpu.memory_space<semaphore_mem>>) src(%arg8 : memref<200x128xf32, #tpu.memory_space<vmem>>) dst(%dma_wait3A_227 : memref<200x128xf32, #tpu.memory_space<hbm>>)
    %add3A_228 = arith.constant 30 : i32
    %add3A_229 = arith.addi %mul3A_2, %add3A_228 : i32
    %dma_wait3A_230 = arith.constant 0 : i32
    %dma_wait3A_231 = arith.constant 0 : i32
    %dma_wait3A_232 = tpu.memref_slice %arg4[%add3A_229, %dma_wait3A_230, %dma_wait3A_231] : memref<1024x200x128xf32, #tpu.memory_space<hbm>> -> memref<1x200x128xf32, #tpu.memory_space<hbm>>
    %dma_wait3A_233 = tpu.memref_squeeze %dma_wait3A_232 : memref<1x200x128xf32, #tpu.memory_space<hbm>> -> memref<200x128xf32, #tpu.memory_space<hbm>>
    %dma_wait3A_234 = arith.constant 0 : i32
    %dma_wait3A_235 = arith.constant 0 : i32
    %dma_wait3A_236 = tpu.memref_slice %arg4[%add3A_229, %dma_wait3A_234, %dma_wait3A_235] : memref<1024x200x128xf32, #tpu.memory_space<hbm>> -> memref<1x200x128xf32, #tpu.memory_space<hbm>>
    %dma_wait3A_237 = tpu.memref_squeeze %dma_wait3A_236 : memref<1x200x128xf32, #tpu.memory_space<hbm>> -> memref<200x128xf32, #tpu.memory_space<hbm>>
    tpu.wait_dma2 semaphore(%arg17 : memref<!tpu.dma_semaphore, #tpu.memory_space<semaphore_mem>>) src(%arg9 : memref<200x128xf32, #tpu.memory_space<vmem>>) dst(%dma_wait3A_237 : memref<200x128xf32, #tpu.memory_space<hbm>>)
    %add3A_238 = arith.constant 31 : i32
    %add3A_239 = arith.addi %mul3A_2, %add3A_238 : i32
    %dma_wait3A_240 = arith.constant 0 : i32
    %dma_wait3A_241 = arith.constant 0 : i32
    %dma_wait3A_242 = tpu.memref_slice %arg4[%add3A_239, %dma_wait3A_240, %dma_wait3A_241] : memref<1024x200x128xf32, #tpu.memory_space<hbm>> -> memref<1x200x128xf32, #tpu.memory_space<hbm>>
    %dma_wait3A_243 = tpu.memref_squeeze %dma_wait3A_242 : memref<1x200x128xf32, #tpu.memory_space<hbm>> -> memref<200x128xf32, #tpu.memory_space<hbm>>
    %dma_wait3A_244 = arith.constant 0 : i32
    %dma_wait3A_245 = arith.constant 0 : i32
    %dma_wait3A_246 = tpu.memref_slice %arg4[%add3A_239, %dma_wait3A_244, %dma_wait3A_245] : memref<1024x200x128xf32, #tpu.memory_space<hbm>> -> memref<1x200x128xf32, #tpu.memory_space<hbm>>
    %dma_wait3A_247 = tpu.memref_squeeze %dma_wait3A_246 : memref<1x200x128xf32, #tpu.memory_space<hbm>> -> memref<200x128xf32, #tpu.memory_space<hbm>>
    tpu.wait_dma2 semaphore(%arg18 : memref<!tpu.dma_semaphore, #tpu.memory_space<semaphore_mem>>) src(%arg10 : memref<200x128xf32, #tpu.memory_space<vmem>>) dst(%dma_wait3A_247 : memref<200x128xf32, #tpu.memory_space<hbm>>)
    return
  }
}

</mosaic_0001>

<sc_bundles>
// kernel: kernel.3.cloned.1.call-start
scs
__scs_entry_jumppad:
0x0: {  	(pc) =	sbr.rel $0x88, $3  }
0x1: {  	(tag) =	ssettag $0x0;
	lr =	simm.s32 $0x1  }
0x2: {  	[smem:$0x3F9F] =	sst lr;
	_ =	strace $0xD0000000  }
0x3: {  	_ = 	snop  }
0x4: {  	_ = 	snop  }
0x5: {  	_ = 	snop  }
0x6: {  	_ = 	snop  }
0x7: {  	_ = 	snop  }
__scs_overlays_trampoline_lowered:
0x8: {  	[smem:$0x3FAE] =	sst s0  }
0x9: {  	[smem:$0x3FAF] =	sst s1  }
0xa: {  	[smem:$0x3FB0] =	sst s2  }
0xb: {  	[smem:$0x3FB1] =	sst s3  }
0xc: {  	[smem:$0x3FB2] =	sst s4  }
0xd: {  	[smem:$0x3FB3] =	sst s5  }
0xe: {  	[smem:$0x3FB4] =	sst s6  }
0xf: {  	[smem:$0x3FB5] =	sst s7  }
0x10: {  	[smem:$0x3FB6] =	sst s8  }
0x11: {  	[smem:$0x3FB7] =	sst s9;
	s0 =	simm.s32 @!p0 $0x0  }
0x12: {  	s1 =	sld [smem:$0x3F9D];
	s0 =	simm.s32 @p0 $0x1  }
0x13: {  	[smem:$0x3FB8] =	sst s0;
	s0 =	simm.s32 @!p1 $0x0  }
0x14: {  	s2 =	sld [smem:$0x3F9C];
	s0 =	simm.s32 @p1 $0x1  }
0x15: {  	[smem:$0x3FB9] =	sst s0;
	s0 =	simm.s32 @!p2 $0x0  }
0x16: {  	s3 =	sld [smem:$0x3FDB];
	s0 =	simm.s32 @p2 $0x1  }
0x17: {  	s4 =	simm.s32 $0x1BF5;
	[smem:$0x3FBB] =	sst s0  }
0x18: {  	s0 =	sld [smem:$0x3F9E];
	_ =	swait.ge [sflag:s4], $0x0  }
0x19: {  	s7 =	sld [smem:$0x3F9F]  }
0x1a: {  	s8 =	sadd.s32 $0xFFFFE003, lr  }
0x1b: {  	s9 =	sadd.s32 $0xFFFFFEF7, lr;
	s5 =	simm.s32 $0xFFFFFFFF;
	p2 =	slt.u32 s8, $0xFFFFF086  }
0x1c: {  	p1 =	slt.u32 s9, $0xF7A;
	s5 =	simm.s32 @!p2 $0x0  }
0x1d: {  	s5 =	simm.s32 @p1 $0x1;
	p0 =	seq.s32 s7, s2  }
0x1e: {  	s7 =	smul.u32 @!p0 $0xF7A, s2;
	p2 =	seq.s32 @!p0 s5, $0x0  }
0x1f: {  	s9 =	smul.u32 $0xF7A, s1;
	s8 =	simm.s32 @!p0 $0x1BF5;
	p2 =	por !p2, p0  }
0x20: {  	[sflag:s8] =	ssyncset.s32 @!p0 $0xFFFFF086;
	s6 =	sadd.s32 @!p0 s3, s7;
	s7 =	simm.s32 @!p0 $0x108  }
0x21: {  	s3 =	sadd.s32 s3, s9;
	s6 =	sadd.s32 @!p0 $0x88, s6;
	s7 =	simm.s32 @p2 $0x1082  }
0x22: {  	[simem:s7], [sflag:s8] =	dma.local @!p0 [hbm:s6], $0xF7A  }
0x23: {  	s9 =	sor.u32 $0xD0000000, s2;
	s6 =	simm.s32 $0x108;
	_ =	swait.ge @!p0 [sflag:s8], $0x0  }
0x24: {  	s3 =	sadd.s32 $0x88, s3;
	s6 =	simm.s32 @!p1 $0x1082;
	[sflag:s4] =	ssyncset.s32 $0xFFFFF086  }
0x25: {  	[simem:s6], [sflag:s4] =	dma.local [hbm:s3], $0xF7A  }
0x26: {  	[smem:$0x3F9F] =	sst s1;
	(tag) =	ssettag s2;
	_ =	strace s9  }
0x27: {  	s1 =	sld [smem:$0x3FAF]  }
0x28: {  	s2 =	sld [smem:$0x3FB0]  }
0x29: {  	s4 =	sld [smem:$0x3FB2]  }
0x2a: {  	p0 =	seq.s32 s5, $0x0;
	s5 =	sld [smem:$0x3FB3]  }
0x2b: {  	s6 =	sld [smem:$0x3FB4]  }
0x2c: {  	s7 =	sld [smem:$0x3FB5]  }
0x2d: {  	s3 =	simm.s32 $0x108;
	s8 =	sld [smem:$0x3FB6]  }
0x2e: {  	s3 =	simm.s32 @!p0 $0x1082;
	s9 =	sld [smem:$0x3FB7]  }
0x2f: {  	lr =	sadd.s32 s0, s3;
	s0 =	sld [smem:$0x3FAE]  }
0x30: {  	s3 =	sld [smem:$0x3FB1]  }
0x31: {  	[smem:$0x3FBA] =	sst s10  }
0x32: {  	s10 =	sld [smem:$0x3FB8];
	_ =	sdelay $0x3  }
0x33: {  	p0 =	seq.s32 s10, $0x1;
	s10 =	sld [smem:$0x3FBA];
	_ =	sdelay $0x3  }
0x34: {  	[smem:$0x3FBA] =	sst s10  }
0x35: {  	s10 =	sld [smem:$0x3FB9];
	_ =	sdelay $0x3  }
0x36: {  	p1 =	seq.s32 s10, $0x1;
	s10 =	sld [smem:$0x3FBA];
	_ =	sdelay $0x3  }
0x37: {  	[smem:$0x3FBA] =	sst s10  }
0x38: {  	s10 =	sld [smem:$0x3FBB]  }
0x39: {  	_ = 	snop;
	(pc) =	sbr.ind lr, $3  }
0x3a: {  	_ = 	snop  }
0x3b: {  	_ = 	snop  }
0x3c: {  	p2 =	seq.s32 s10, $0x1;
	s10 =	sld [smem:$0x3FBA]  }
0x3d: {  	_ =	shalt  }
0x3e: {  	_ =	shalt  }
0x3f: {  	_ =	shalt  }
0x40: {  	_ =	shalt  }
0x41: {  	_ =	shalt  }
0x42: {  	_ =	shalt  }
0x43: {  	_ =	shalt  }
0x44: {  	_ =	shalt  }
0x45: {  	_ =	shalt  }
0x46: {  	_ =	shalt  }
0x47: {  	_ =	shalt  }
0x48: {  	_ =	shalt  }
0x49: {  	_ =	shalt  }
0x4a: {  	_ =	shalt  }
0x4b: {  	_ =	shalt  }
0x4c: {  	_ =	shalt  }
0x4d: {  	_ =	shalt  }
0x4e: {  	_ =	shalt  }
0x4f: {  	_ =	shalt  }
0x50: {  	_ =	shalt  }
0x51: {  	_ =	shalt  }
0x52: {  	_ =	shalt  }
0x53: {  	_ =	shalt  }
0x54: {  	_ =	shalt  }
0x55: {  	_ =	shalt  }
0x56: {  	_ =	shalt  }
0x57: {  	_ =	shalt  }
0x58: {  	_ =	shalt  }
0x59: {  	_ =	shalt  }
0x5a: {  	_ =	shalt  }
0x5b: {  	_ =	shalt  }
0x5c: {  	_ =	shalt  }
0x5d: {  	_ =	shalt  }
0x5e: {  	_ =	shalt  }
0x5f: {  	_ =	shalt  }
0x60: {  	_ =	shalt  }
0x61: {  	_ =	shalt  }
0x62: {  	_ =	shalt  }
0x63: {  	_ =	shalt  }
0x64: {  	_ =	shalt  }
0x65: {  	_ =	shalt  }
0x66: {  	_ =	shalt  }
0x67: {  	_ =	shalt  }
0x68: {  	_ =	shalt  }
0x69: {  	_ =	shalt  }
0x6a: {  	_ =	shalt  }
0x6b: {  	_ =	shalt  }
0x6c: {  	_ =	shalt  }
0x6d: {  	_ =	shalt  }
0x6e: {  	_ =	shalt  }
0x6f: {  	_ =	shalt  }
0x70: {  	_ =	shalt  }
0x71: {  	_ =	shalt  }
0x72: {  	_ =	shalt  }
0x73: {  	_ =	shalt  }
0x74: {  	_ =	shalt  }
0x75: {  	_ =	shalt  }
0x76: {  	_ =	shalt  }
0x77: {  	_ =	shalt  }
0x78: {  	_ =	shalt  }
0x79: {  	_ =	shalt  }
0x7a: {  	_ =	shalt  }
0x7b: {  	_ =	shalt  }
0x7c: {  	_ =	shalt  }
0x7d: {  	_ =	shalt  }
0x7e: {  	_ =	shalt  }
0x7f: {  	_ =	shalt  }
0x80: {  	_ =	shalt  }
0x81: {  	_ =	shalt  }
0x82: {  	_ =	shalt  }
0x83: {  	_ =	shalt  }
0x84: {  	_ =	shalt  }
0x85: {  	_ =	shalt  }
0x86: {  	_ =	shalt  }
0x87: {  	_ =	shalt  }
.Lfunc_end0:
.L_simem_size_0:
called_computation_lowered:
.L_overlay_start_0:
0x88: {  	s2 =	sld [smem:$0x3FD9]  }
0x89: {  	s3 =	sld [smem:$0x3FFE];
	_ =	sdelay $0x1  }
0x8a: {  	s1 =	srdreg.scid  }
0x8b: {  	s0 =	sand.u32 $0x1, s1  }
0x8c: {  	s17 =	sshll.u32 s0, $0xA;
	s2 =	sadd.s32 s3, s2  }
0x8d: {  	s2 =	sadd.s32 s2, s17  }
0x8e: {  	[smem:$0x3FC6] =	sst s2  }
0x8f: {  	_ = 	snop  }
0x90: {  	s2 =	sld [smem:$0x3FC8]  }
0x91: {  	s18 =	sld [smem:$0x3FD0];
	(tm) =	ssettm $0x1  }
0x92: {  	s4 =	sld [smem:$0x3FFB];
	_ =	sdelay $0x3  }
0x93: {  	_ =	strace s4  }
0x94: {  	s4 =	sld [smem:$0x3FFC];
	_ =	sdelay $0x3  }
0x95: {  	_ =	strace s4  }
0x96: {  	s4 =	sld [smem:$0x3FFD];
	_ =	sdelay $0x3  }
0x97: {  	_ =	strace s4  }
0x98: {  	_ =	strace $0x8FFFFFFF  }
0x99: {  	s19 =	sld [smem:$0x3FDB];
	_ =	sdelay $0x1  }
0x9a: {  	s5 =	simm.s32 $_scs_section_size  }
0x9b: {  	s6 =	simm.s32 $_size__tile_overlayer_lowered;
	s7 =	simm.s32 $_tile_overlayer_lowered  }
0x9c: {  	s22 =	simm.s32 $0x1BFF;
	s21 =	sshll.u32 s7, $0x1;
	s4 =	sadd.s32 s5, s19  }
0x9d: {  	s8 =	simm.s32 $0x0;
	s20 =	sshll.u32 s6, $0x1;
	s6 =	sadd.s32 s21, s4  }
0x9e: {  	[timem:s8], [sflag:s22] =	dma.local [hbm:s6], s20  }
0x9f: {  	_ =	swait.ge [sflag:s22], s20  }
0xa0: {  	s5 =	ssub.s32 $0x0, s20;
	[sflag:s22] =	ssyncset.done $0x0  }
0xa1: {  	[sflag:s22] =	ssyncadd.s32 s5;
	_ =	sdelay $0x1  }
0xa2: {  	s23 =	simm.s32 $0x1B8B  }
0xa3: {  	_ =	swait.ge [sflag:s23], $0x1  }
0xa4: {  	[sflag:s23] =	ssyncset.done $0x0  }
0xa5: {  	s25 =	simm.s32 $0x1B8E;
	s24 =	sld [smem:$0x3FFE];
	[sflag:s23] =	ssyncadd.s32 $0xFFFFFFFF  }
0xa6: {  	s26 =	simm.s32 $execute0_lowered;
	[smem:$0x3FD2] =	sst s25  }
0xa7: {  	s6 =	sshll.u32 s26, $0x1;
	_ =	strace $0x80000046;
	[dreg:$0x1] =	wrdreg $0xFFFFFFFF  }
0xa8: {  	s28 =	simm.s32 $_size_execute0_lowered;
	s4 =	sadd.s32 s4, s6;
	[dreg:$0x0] =	wrdreg $0x0  }
0xa9: {  	s6 =	sshll.u32 s28, $0x1;
	[dreg:$0x2] =	wrdreg s4  }
0xaa: {  	[dreg:$0x3] =	wrdreg s6  }
0xab: {  	[dreg:$0x4] =	wrdreg $0xC0  }
0xac: {  	_ =	task [dreg:s8], $0x5FFFF  }
0xad: {  	[dreg:$0x1] =	wrdreg $0xFFFFFFFF  }
0xae: {  	[dreg:$0x0] =	wrdreg $0x60  }
0xaf: {  	[dreg:$0x2] =	wrdreg s2  }
0xb0: {  	[dreg:$0x3] =	wrdreg s24  }
0xb1: {  	[dreg:$0x4] =	wrdreg s18  }
0xb2: {  	[dreg:$0x5] =	wrdreg $0x0  }
0xb3: {  	[dreg:$0x6] =	wrdreg $0x9  }
0xb4: {  	_ =	task.clear_ibuf [dreg:s8], $0x7FFFF;
	_ =	strace $0x90000046  }
0xb5: {  	s29 =	simm.s32 $0x9;
	_ =	strace $0x80000048  }
0xb6: {  	_ =	swait.ge [sflag:s29], $0x1  }
0xb7: {  	[sflag:s29] =	ssyncadd.s32 $0xFFFFFFFF  }
0xb8: {  	_ =	strace $0x90000048  }
0xb9: {  	_ =	sfence  }
0xba: {  	s30 =	sld [smem:$0x0];
	_ =	sdelay $0x2  }
0xbb: {  	s31 =	sshll.u32 s1, $0xD;
	s1 =	sshrl.u32 s1, $0x2  }
0xbc: {  	s3 =	sand.u32 $0x4000, s31;
	s1 =	sadd.s32 s1, s30  }
0xbd: {  	s0 =	sor.u32 s3, s0;
	s1 =	sshll.u32 s1, $0x11  }
0xbe: {  	s0 =	sor.u32 s1, s0  }
0xbf: {  	s0 =	sadd.s32 $0x8F2B, s0  }
0xc0: {  	[sflag:s0] =	ssyncadd.remote.s32 $0x1  }
0xc1: {  	_ =	sfence.sel $0xFFFF  }
0xc2: {  	[dreg:$0x0] =	wrdreg $0xFFFFFFFF;
	(pc) =	sbr.abs _section_cstart, $3  }
0xc3: {  	[dreg:$0x1] =	wrdreg $0xFFFFFFFF  }
0xc4: {  	_ =	task.clear_ibuf [dreg:s8], $0x2FFFF;
	_ =	strace $0x9FFFFFFF  }
0xc5: {  	(tm) =	ssettm $0x7FFFFFFF  }
tec
execute0_lowered:
.L_overlay_start_1:
0x0: {  	(tag) =	ssettag $0x1  }
0x1: {  	s0 =	rddreg [dreg:$0x1];
	s1 =	srdreg.scid  }
0x2: {  	s4 =	rddreg [dreg:$0x2];
	s5 =	stileid.u32  }
0x3: {  	s2 =	rddreg [dreg:$0x3];
	s3 =	simm.s32 $0x0;
	s13 =	simm.s32 $0x9  }
0x4: {  	s14 =	simm.s32 $0x80;
	s15 =	simm.s32 $0x3F40;
	s16 =	simm.s32 $0x48  }
0x5: {  	s18 =	simm.s32 $0x7F40;
	s29 =	simm.s32 $0x16B40;
	s31 =	simm.s32 $0x1AB40  }
0x6: {  	s17 =	simm.s32 $0x2;
	s28 =	simm.s32 $0x8;
	s30 =	simm.s32 $0x0  }
0x7: {  	s1 =	sand.u32 $0x1, s1;
	s6 =	sshll.u32 s5, $0x6;
	[smem:$0x7FF] =	sst s3  }
0x8: {  	s22 =	smul.u32 $0x32000, s5;
	p0 =	sne.s32 s5, $0x0;
	s7 =	sshll.u32 s1, $0x5  }
0x9: {  	_ =	strace $0x80000047;
	s8 =	ssub.s32 $0x2, s1;
	s24 =	smul.u32 $0x19000, s1  }
0xa: {  	s11 =	sshrl.u32 @!p0 s2, $0x3;
	s1 =	simm.s32 $0x1;
	s6 =	sor.u32 s7, s6  }
0xb: {  	s19 =	sshrl.u32 s8, $0x1;
	s7 =	smul.u32 $0x6400, s6;
	s6 =	sshll.u32 s6, $0x5  }
0xc: {  	s26 =	sadd.s32 s22, s4;
	s22 =	simm.s32 $0xE340;
	s0 =	sadd.s32 s6, s0  }
0xd: {  	s6 =	ssub.s32 s8, s19;
	s7 =	sshrl.u32 s7, $0x3;
	s0 =	sadd.s32 $0x400, s0  }
0xe: {  	s25 =	smax.u32 s6, $0x1;
	[dreg:$0x5] =	wrdreg s0;
	s20 =	sadd.s32 s4, s7  }
0xf: {  	s10 =	sadd.s32 s24, s26;
	[dreg:$0xa] =	wrdreg s25;
	s7 =	sadd.s32 $0x15E00, s20  }
0x10: {  	s24 =	simm.s32 $0x10740;
	s21 =	sadd.s32 $0x16A80, s20;
	[dreg:$0x6] =	wrdreg s7  }
0x11: {  	s26 =	simm.s32 $0x14740;
	s23 =	sadd.s32 $0x17700, s20;
	[dreg:$0x7] =	wrdreg s21  }
0x12: {  	s19 =	simm.s32 $0x6;
	s0 =	sadd.s32 $0x18380, s20;
	[dreg:$0x8] =	wrdreg s23  }
0x13: {  	s25 =	simm.s32 $0x4;
	s20 =	simm.s32 $0xA340;
	[dreg:$0x9] =	wrdreg s0  }
0x14: {  	s0 =	simm.s32 $0x5;
	s21 =	simm.s32 $0x3;
	s23 =	simm.s32 $0x7  }
.LBB2_1:
0x15: {  	s4 =	simm.s32 @!p0 $0x1C09;
	s5 =	rddreg [dreg:$0x0]  }
0x16: {  	[spmem:s11], [sflag:s4] =	dma.local @!p0 [hbm:s5], $0x3E80  }
0x17: {  	s4 =	simm.s32 @!p0 $0x9  }
0x18: {  	_ =	swait.ge @!p0 [sflag:s4], $0x3E80  }
0x19: {  	[sflag:s4] =	ssyncset.done @!p0 $0x0  }
0x1a: {  	s12 =	simm.s32 $0x1F40;
	s9 =	rddreg [dreg:$0x5];
	[sflag:s4] =	ssyncadd.s32 @!p0 $0xFFFFC180  }
0x1b: {  	[tilespmem:s12], [sflag:$0x9] =	stream.linear.gather [hbm4b:s9+s3], $0x2000, $0x38;
	[tilespmem:$0x1CF40] =	vst v63  }
0x1c: {  	_ =	swait.ge [sflag:s13], $0x2000  }
0x1d: {  	[sflag:s13] =	ssyncset.done $0x0  }
0x1e: {  	[sflag:s13] =	ssyncadd.s32 $0xFFFFE000  }
0x1f: {  	[bflag:$0x0] =	sbarrier.arrive $0xFFFF  }
0x20: {  	[tilespmem:s15], [sflag:$0x1] =	stream.indirect.gather [spmem:s2], $0x80, s12, s14, $0xb8;
	[tilespmem:$0x1CF40] =	vst v63  }
0x21: {  	s6 =	simm.s32 $0x2340  }
0x22: {  	[tilespmem:s18], [sflag:$0x1] =	stream.indirect.gather [spmem:s2], $0x80, s6, s16, $0xb8;
	[tilespmem:$0x1CF40] =	vst v63  }
0x23: {  	s7 =	simm.s32 $0x1FC0  }
0x24: {  	[tilespmem:s20], [sflag:$0x2] =	stream.indirect.gather [spmem:s2], $0x80, s7, s14, $0xb8;
	[tilespmem:$0x1CF40] =	vst v63  }
0x25: {  	s8 =	simm.s32 $0x23C0  }
0x26: {  	[tilespmem:s22], [sflag:$0x2] =	stream.indirect.gather [spmem:s2], $0x80, s8, s16, $0xb8;
	[tilespmem:$0x1CF40] =	vst v63  }
0x27: {  	s9 =	simm.s32 $0x2040  }
0x28: {  	[tilespmem:s24], [sflag:$0x3] =	stream.indirect.gather [spmem:s2], $0x80, s9, s14, $0xb8;
	[tilespmem:$0x1CF40] =	vst v63  }
0x29: {  	s12 =	simm.s32 $0x2440  }
0x2a: {  	[tilespmem:s26], [sflag:$0x3] =	stream.indirect.gather [spmem:s2], $0x80, s12, s16, $0xb8;
	[tilespmem:$0x1CF40] =	vst v63  }
0x2b: {  	s5 =	simm.s32 $0x20C0  }
0x2c: {  	[tilespmem:s29], [sflag:$0x4] =	stream.indirect.gather [spmem:s2], $0x80, s5, s14, $0xb8;
	[tilespmem:$0x1CF40] =	vst v63  }
0x2d: {  	s6 =	simm.s32 $0x24C0  }
0x2e: {  	[tilespmem:s31], [sflag:$0x4] =	stream.indirect.gather [spmem:s2], $0x80, s6, s16, $0xb8;
	[tilespmem:$0x1CF40] =	vst v63  }
0x2f: {  	_ =	swait.ge [sflag:s1], $0x4000  }
0x30: {  	p1 =	por $0x1, $0x1;
	s4 =	simm.s32 $0x1;
	[sflag:s1] =	ssyncset.done $0x0  }
0x31: {  	s4 =	simm.s32 @!p1 $0x0;
	[sflag:s1] =	ssyncadd.s32 $0xFFFFC000  }
0x32: {  	s4 =	sshll.u32 s4, $0x9;
	_ =	swait.ge [sflag:s1], $0x2400  }
0x33: {  	s4 =	sadd.s32 $0xB00, s4;
	[sflag:s1] =	ssyncset.done $0x0  }
0x34: {  	s7 =	simm.s32 $0x400;
	s6 =	simm.s32 $0x200;
	[sflag:s1] =	ssyncadd.s32 $0xFFFFDC00  }
0x35: {  	[hbm4b:s10+s3] =	stream.linear.scatter [tilespmem:s15], [sflag:$0x5], $0x6400, $0x38;
	[tilespmem:$0x1CF40] =	vst v63  }
0x36: {  	s5 =	sand.u32 $0x3800, s7;
	s6 =	sand.u32 $0x200, s6;
	_ =	swait.ge [sflag:s0], $0x6400  }
0x37: {  	s4 =	sadd.s32 $0xFFFFF900, s4;
	s5 =	sor.u32 s6, s5;
	[sflag:s0] =	ssyncset.done $0x0  }
0x38: {  	s4 =	sor.u32 $0x400, s4;
	s5 =	sadd.s32 $0x1F40, s5;
	[sflag:s0] =	ssyncadd.s32 $0xFFFF9C00  }
0x39: {  	[tilespmem:s15], [sflag:$0x1] =	stream.indirect.gather [spmem:s2], $0x80, s5, s14, $0xb8;
	[tilespmem:$0x1CF40] =	vst v63  }
0x3a: {  	s4 =	sadd.s32 $0x1F40, s4  }
0x3b: {  	[tilespmem:s18], [sflag:$0x1] =	stream.indirect.gather [spmem:s2], $0x80, s4, s16, $0xb8;
	[tilespmem:$0x1CF40] =	vst v63  }
0x3c: {  	_ =	swait.ge [sflag:s17], $0x4000  }
0x3d: {  	[sflag:s17] =	ssyncset.done $0x0  }
0x3e: {  	[sflag:s17] =	ssyncadd.s32 $0xFFFFC000  }
0x3f: {  	_ =	swait.ge [sflag:s17], $0x2400  }
0x40: {  	s8 =	simm.s32 $0x280;
	[sflag:s17] =	ssyncset.done $0x0  }
0x41: {  	s9 =	sadd.s32 $0xC80, s10;
	s12 =	simm.s32 $0x500;
	[sflag:s17] =	ssyncadd.s32 $0xFFFFDC00  }
0x42: {  	[hbm4b:s9+s3] =	stream.linear.scatter [tilespmem:s20], [sflag:$0x6], $0x6400, $0x38;
	[tilespmem:$0x1CF40] =	vst v63  }
0x43: {  	s7 =	sand.u32 $0x3800, s12;
	s4 =	sand.u32 $0x280, s8;
	_ =	swait.ge [sflag:s19], $0x6400  }
0x44: {  	s4 =	sor.u32 s4, s7;
	[sflag:s19] =	ssyncset.done $0x0  }
0x45: {  	s5 =	sadd.s32 $0x1F40, s4;
	[sflag:s19] =	ssyncadd.s32 $0xFFFF9C00  }
0x46: {  	[tilespmem:s20], [sflag:$0x2] =	stream.indirect.gather [spmem:s2], $0x80, s5, s14, $0xb8;
	[tilespmem:$0x1CF40] =	vst v63  }
0x47: {  	s4 =	sadd.s32 $0x2340, s4  }
0x48: {  	[tilespmem:s22], [sflag:$0x2] =	stream.indirect.gather [spmem:s2], $0x80, s4, s16, $0xb8;
	[tilespmem:$0x1CF40] =	vst v63  }
0x49: {  	_ =	swait.ge [sflag:s21], $0x4000  }
0x4a: {  	[sflag:s21] =	ssyncset.done $0x0  }
0x4b: {  	[sflag:s21] =	ssyncadd.s32 $0xFFFFC000  }
0x4c: {  	_ =	swait.ge [sflag:s21], $0x2400  }
0x4d: {  	s12 =	simm.s32 $0x600;
	[sflag:s21] =	ssyncset.done $0x0  }
0x4e: {  	s8 =	simm.s32 $0x300;
	s9 =	sadd.s32 $0x1900, s10;
	[sflag:s21] =	ssyncadd.s32 $0xFFFFDC00  }
0x4f: {  	[hbm4b:s9+s3] =	stream.linear.scatter [tilespmem:s24], [sflag:$0x7], $0x6400, $0x38;
	[tilespmem:$0x1CF40] =	vst v63  }
0x50: {  	s7 =	sand.u32 $0x3800, s12;
	s4 =	sand.u32 $0x300, s8;
	_ =	swait.ge [sflag:s23], $0x6400  }
0x51: {  	s4 =	sor.u32 s4, s7;
	[sflag:s23] =	ssyncset.done $0x0  }
0x52: {  	s5 =	sadd.s32 $0x1F40, s4;
	[sflag:s23] =	ssyncadd.s32 $0xFFFF9C00  }
0x53: {  	[tilespmem:s24], [sflag:$0x3] =	stream.indirect.gather [spmem:s2], $0x80, s5, s14, $0xb8;
	[tilespmem:$0x1CF40] =	vst v63  }
0x54: {  	s4 =	sadd.s32 $0x2340, s4  }
0x55: {  	[tilespmem:s26], [sflag:$0x3] =	stream.indirect.gather [spmem:s2], $0x80, s4, s16, $0xb8;
	[tilespmem:$0x1CF40] =	vst v63  }
0x56: {  	_ =	swait.ge [sflag:s25], $0x4000  }
0x57: {  	[sflag:s25] =	ssyncset.done $0x0  }
0x58: {  	[sflag:s25] =	ssyncadd.s32 $0xFFFFC000  }
0x59: {  	_ =	swait.ge [sflag:s25], $0x2400  }
0x5a: {  	s12 =	sadd.s32 $0x2580, s10;
	[sflag:s25] =	ssyncset.done $0x0  }
0x5b: {  	s8 =	simm.s32 $0x700;
	s9 =	simm.s32 $0x380;
	[sflag:s25] =	ssyncadd.s32 $0xFFFFDC00  }
0x5c: {  	[hbm4b:s12+s3] =	stream.linear.scatter [tilespmem:s29], [sflag:$0x8], $0x6400, $0x38;
	[tilespmem:$0x1CF40] =	vst v63  }
0x5d: {  	s5 =	sand.u32 $0x380, s9;
	s4 =	sand.u32 $0x3800, s8;
	_ =	swait.ge [sflag:s28], $0x6400  }
0x5e: {  	p1 =	por !p1, !p1;
	s5 =	sor.u32 s5, s4;
	[sflag:s28] =	ssyncset.done $0x0  }
0x5f: {  	s6 =	simm.s32 $0xB00;
	s4 =	sadd.s32 $0x1F40, s5;
	[sflag:s28] =	ssyncadd.s32 $0xFFFF9C00  }
0x60: {  	[tilespmem:s29], [sflag:$0x4] =	stream.indirect.gather [spmem:s2], $0x80, s4, s14, $0xb8;
	[tilespmem:$0x1CF40] =	vst v63  }
0x61: {  	s7 =	sadd.s32 $0x2340, s5;
	s5 =	sadd.s32 $0x3200, s10;
	s4 =	simm.s32 $0x580  }
.LBB2_2:
0x62: {  	[tilespmem:s31], [sflag:$0x4] =	stream.indirect.gather [spmem:s2], $0x80, s7, s16, $0xb8;
	[tilespmem:$0x1CF40] =	vst v63  }
0x63: {  	s7 =	smov.u32 s6;
	s12 =	simm.s32 $0x1  }
0x64: {  	s8 =	sadd.s32 $0x400, s6;
	s12 =	simm.s32 @!p1 $0x0;
	_ =	swait.ge [sflag:s1], $0x4000  }
0x65: {  	p2 =	sne.s32 s6, $0x1F00;
	s12 =	sshll.u32 s12, $0x9;
	[sflag:s1] =	ssyncset.done $0x0  }
0x66: {  	[sflag:s1] =	ssyncadd.s32 $0xFFFFC000;
	s6 =	sadd.s32 s12, s8  }
0x67: {  	_ =	swait.ge [sflag:s1], $0x2400;
	s6 =	sadd.s32 $0xFFFFF900, s6  }
0x68: {  	[sflag:s1] =	ssyncset.done $0x0;
	s6 =	sor.u32 $0x400, s6  }
0x69: {  	s9 =	sadd.s32 $0xFFFFFE80, s4;
	s12 =	sadd.s32 $0xFFFFFD00, s7;
	[sflag:s1] =	ssyncadd.s32 $0xFFFFDC00  }
0x6a: {  	[hbm4b:s5+s3] =	stream.linear.scatter [tilespmem:s15], [sflag:$0x5], $0x6400, $0x38;
	[tilespmem:$0x1CF40] =	vst v63  }
0x6b: {  	s9 =	sand.u32 $0x200, s9;
	s12 =	sand.u32 $0x3800, s12;
	_ =	swait.ge [sflag:s0], $0x6400  }
0x6c: {  	s9 =	sor.u32 s9, s12;
	[sflag:s0] =	ssyncset.done $0x0  }
0x6d: {  	s9 =	sadd.s32 $0x1F40, s9;
	[sflag:s0] =	ssyncadd.s32 $0xFFFF9C00  }
0x6e: {  	[tilespmem:s15], [sflag:$0x1] =	stream.indirect.gather [spmem:s2], $0x80, s9, s14, $0xb8;
	[tilespmem:$0x1CF40] =	vst v63  }
0x6f: {  	s6 =	sadd.s32 $0x1F40, s6  }
0x70: {  	[tilespmem:s18], [sflag:$0x1] =	stream.indirect.gather [spmem:s2], $0x80, s6, s16, $0xb8;
	[tilespmem:$0x1CF40] =	vst v63  }
0x71: {  	_ =	swait.ge [sflag:s17], $0x4000  }
0x72: {  	[sflag:s17] =	ssyncset.done $0x0  }
0x73: {  	[sflag:s17] =	ssyncadd.s32 $0xFFFFC000  }
0x74: {  	_ =	swait.ge [sflag:s17], $0x2400  }
0x75: {  	s6 =	sadd.s32 $0xFFFFFF00, s4;
	[sflag:s17] =	ssyncset.done $0x0  }
0x76: {  	s12 =	sadd.s32 $0xFFFFFE00, s7;
	s9 =	sadd.s32 $0xC80, s5;
	[sflag:s17] =	ssyncadd.s32 $0xFFFFDC00  }
0x77: {  	[hbm4b:s9+s3] =	stream.linear.scatter [tilespmem:s20], [sflag:$0x6], $0x6400, $0x38;
	[tilespmem:$0x1CF40] =	vst v63  }
0x78: {  	s6 =	sand.u32 $0x280, s6;
	s9 =	sand.u32 $0x3800, s12;
	_ =	swait.ge [sflag:s19], $0x6400  }
0x79: {  	s6 =	sor.u32 s6, s9;
	[sflag:s19] =	ssyncset.done $0x0  }
0x7a: {  	s9 =	sadd.s32 $0x1F40, s6;
	[sflag:s19] =	ssyncadd.s32 $0xFFFF9C00  }
0x7b: {  	[tilespmem:s20], [sflag:$0x2] =	stream.indirect.gather [spmem:s2], $0x80, s9, s14, $0xb8;
	[tilespmem:$0x1CF40] =	vst v63  }
0x7c: {  	s6 =	sadd.s32 $0x2340, s6  }
0x7d: {  	[tilespmem:s22], [sflag:$0x2] =	stream.indirect.gather [spmem:s2], $0x80, s6, s16, $0xb8;
	[tilespmem:$0x1CF40] =	vst v63  }
0x7e: {  	_ =	swait.ge [sflag:s21], $0x4000  }
0x7f: {  	[sflag:s21] =	ssyncset.done $0x0  }
0x80: {  	[sflag:s21] =	ssyncadd.s32 $0xFFFFC000  }
0x81: {  	_ =	swait.ge [sflag:s21], $0x2400  }
0x82: {  	s6 =	sadd.s32 $0xFFFFFF80, s4;
	[sflag:s21] =	ssyncset.done $0x0  }
0x83: {  	s12 =	sadd.s32 $0xFFFFFF00, s7;
	s9 =	sadd.s32 $0x1900, s5;
	[sflag:s21] =	ssyncadd.s32 $0xFFFFDC00  }
0x84: {  	[hbm4b:s9+s3] =	stream.linear.scatter [tilespmem:s24], [sflag:$0x7], $0x6400, $0x38;
	[tilespmem:$0x1CF40] =	vst v63  }
0x85: {  	s6 =	sand.u32 $0x300, s6;
	s9 =	sand.u32 $0x3800, s12;
	_ =	swait.ge [sflag:s23], $0x6400  }
0x86: {  	s6 =	sor.u32 s6, s9;
	[sflag:s23] =	ssyncset.done $0x0  }
0x87: {  	s9 =	sadd.s32 $0x1F40, s6;
	[sflag:s23] =	ssyncadd.s32 $0xFFFF9C00  }
0x88: {  	[tilespmem:s24], [sflag:$0x3] =	stream.indirect.gather [spmem:s2], $0x80, s9, s14, $0xb8;
	[tilespmem:$0x1CF40] =	vst v63  }
0x89: {  	s6 =	sadd.s32 $0x2340, s6  }
0x8a: {  	[tilespmem:s26], [sflag:$0x3] =	stream.indirect.gather [spmem:s2], $0x80, s6, s16, $0xb8;
	[tilespmem:$0x1CF40] =	vst v63  }
0x8b: {  	_ =	swait.ge [sflag:s25], $0x4000  }
0x8c: {  	[sflag:s25] =	ssyncset.done $0x0  }
0x8d: {  	[sflag:s25] =	ssyncadd.s32 $0xFFFFC000  }
0x8e: {  	_ =	swait.ge [sflag:s25], $0x2400  }
0x8f: {  	[sflag:s25] =	ssyncset.done $0x0  }
0x90: {  	s9 =	sand.u32 $0x380, s4;
	s6 =	sadd.s32 $0x2580, s5;
	[sflag:s25] =	ssyncadd.s32 $0xFFFFDC00  }
0x91: {  	[hbm4b:s6+s3] =	stream.linear.scatter [tilespmem:s29], [sflag:$0x8], $0x6400, $0x38;
	[tilespmem:$0x1CF40] =	vst v63  }
.Ltmp0:
0x92: {  	s6 =	sand.u32 $0x3800, s7;
	_ =	swait.ge [sflag:s28], $0x6400;
	(pc) =	sbr.rel @p2 .LBB2_2-.Ltmp0, $4  }
0x93: {  	p1 =	por !p1, !p1;
	s6 =	sor.u32 s9, s6;
	[sflag:s28] =	ssyncset.done $0x0  }
0x94: {  	s4 =	sadd.s32 $0x200, s4;
	s7 =	sadd.s32 $0x1F40, s6;
	[sflag:s28] =	ssyncadd.s32 $0xFFFF9C00  }
0x95: {  	[tilespmem:s29], [sflag:$0x4] =	stream.indirect.gather [spmem:s2], $0x80, s7, s14, $0xb8;
	[tilespmem:$0x1CF40] =	vst v63  }
0x96: {  	s5 =	sadd.s32 $0x3200, s5;
	s7 =	sadd.s32 $0x2340, s6;
	s6 =	smov.u32 s8  }
0x97: {  	[tilespmem:s31], [sflag:$0x4] =	stream.indirect.gather [spmem:s2], $0x80, s7, s16, $0xb8;
	[tilespmem:$0x1CF40] =	vst v63  }
0x98: {  	_ =	swait.ge [sflag:s1], $0x4000  }
0x99: {  	[sflag:s1] =	ssyncset.done $0x0  }
0x9a: {  	[sflag:s1] =	ssyncadd.s32 $0xFFFFC000  }
0x9b: {  	_ =	swait.ge [sflag:s1], $0x2400  }
0x9c: {  	[sflag:s1] =	ssyncset.done $0x0  }
0x9d: {  	s4 =	rddreg [dreg:$0x6];
	[sflag:s1] =	ssyncadd.s32 $0xFFFFDC00  }
0x9e: {  	[hbm4b:s4+s3] =	stream.linear.scatter [tilespmem:s15], [sflag:$0x5], $0x6400, $0x38;
	[tilespmem:$0x1CF40] =	vst v63  }
0x9f: {  	_ =	swait.ge [sflag:s17], $0x4000  }
0xa0: {  	[sflag:s17] =	ssyncset.done $0x0  }
0xa1: {  	[sflag:s17] =	ssyncadd.s32 $0xFFFFC000  }
0xa2: {  	_ =	swait.ge [sflag:s17], $0x2400  }
0xa3: {  	[sflag:s17] =	ssyncset.done $0x0  }
0xa4: {  	s7 =	rddreg [dreg:$0x7];
	[sflag:s17] =	ssyncadd.s32 $0xFFFFDC00  }
0xa5: {  	[hbm4b:s7+s3] =	stream.linear.scatter [tilespmem:s20], [sflag:$0x6], $0x6400, $0x38;
	[tilespmem:$0x1CF40] =	vst v63  }
0xa6: {  	_ =	swait.ge [sflag:s21], $0x4000  }
0xa7: {  	[sflag:s21] =	ssyncset.done $0x0  }
0xa8: {  	[sflag:s21] =	ssyncadd.s32 $0xFFFFC000  }
0xa9: {  	_ =	swait.ge [sflag:s21], $0x2400  }
0xaa: {  	[sflag:s21] =	ssyncset.done $0x0  }
0xab: {  	s8 =	rddreg [dreg:$0x8];
	[sflag:s21] =	ssyncadd.s32 $0xFFFFDC00  }
0xac: {  	[hbm4b:s8+s3] =	stream.linear.scatter [tilespmem:s24], [sflag:$0x7], $0x6400, $0x38;
	[tilespmem:$0x1CF40] =	vst v63  }
0xad: {  	_ =	swait.ge [sflag:s25], $0x4000  }
0xae: {  	[sflag:s25] =	ssyncset.done $0x0  }
0xaf: {  	[sflag:s25] =	ssyncadd.s32 $0xFFFFC000  }
0xb0: {  	_ =	swait.ge [sflag:s25], $0x2400  }
0xb1: {  	[sflag:s25] =	ssyncset.done $0x0  }
0xb2: {  	s9 =	rddreg [dreg:$0x9];
	[sflag:s25] =	ssyncadd.s32 $0xFFFFDC00  }
0xb3: {  	[hbm4b:s9+s3] =	stream.linear.scatter [tilespmem:s29], [sflag:$0x8], $0x6400, $0x38;
	[tilespmem:$0x1CF40] =	vst v63  }
0xb4: {  	_ =	swait.ge [sflag:s0], $0x6400  }
0xb5: {  	[sflag:s0] =	ssyncset.done $0x0  }
0xb6: {  	[sflag:s0] =	ssyncadd.s32 $0xFFFF9C00  }
0xb7: {  	_ =	swait.ge [sflag:s19], $0x6400  }
0xb8: {  	[sflag:s19] =	ssyncset.done $0x0  }
0xb9: {  	[sflag:s19] =	ssyncadd.s32 $0xFFFF9C00  }
0xba: {  	_ =	swait.ge [sflag:s23], $0x6400  }
0xbb: {  	[sflag:s23] =	ssyncset.done $0x0  }
0xbc: {  	[sflag:s23] =	ssyncadd.s32 $0xFFFF9C00  }
0xbd: {  	_ =	swait.ge [sflag:s28], $0x6400  }
0xbe: {  	s30 =	sadd.s32 $0x1, s30;
	s12 =	rddreg [dreg:$0xa]  }
0xbf: {  	p1 =	sne.s32 s30, s12  }
.Ltmp1:
0xc0: {  	_ = 	snop;
	(pc) =	sbr.rel @p1 .LBB2_1-.Ltmp1, $3  }
0xc1: {  	_ =	sdelay $0x1  }
0xc2: {  	[sflag:s28] =	ssyncset.done $0x0  }
0xc3: {  	[sflag:s28] =	ssyncadd.s32 $0xFFFF9C00  }
0xc4: {  	_ =	sfence.sel $0x180000  }
0xc5: {  	[bflag:$0x0] =	sbarrier.arrive $0xFFFF  }
0xc6: {  	_ =	strace $0x90000047  }
0xc7: {  	[bflag:$0x2] =	sbarrier.arrive $0xFFFF  }
0xc8: {  	s0 =	rddreg [dreg:$0x4]  }
0xc9: {  	s0 =	sadd.s32 @!p0 $0x100000, s0  }
0xca: {  	[sflag:s0] =	ssyncadd.tile.s32 @!p0 $0x1;
	_ =	shalt  }
.Lfunc_end2:
_tile_overlayer_lowered:
.L_overlay_start_2:
0xcb: {  	(tag) =	ssettag $0x2  }
0xcc: {  	s0 =	rddreg [dreg:$0x0];
	s2 =	stileid.u32  }
0xcd: {  	s1 =	rddreg [dreg:$0x1];
	p0 =	sne.s32 s2, $0x0  }
0xce: {  	s3 =	rddreg [dreg:$0x2];
	[bflag:$0x3] =	sbarrier.arrive $0xFFFF;
	s2 =	simm.s32 @!p0 $0x1C09  }
0xcf: {  	[timem:s3], [sflag:s2] =	dma.local @!p0 [hbm:s0], s1  }
0xd0: {  	s0 =	simm.s32 @!p0 $0x9  }
0xd1: {  	_ =	swait.ge @!p0 [sflag:s0], s1  }
0xd2: {  	s1 =	ssub.s32 @!p0 $0x0, s1;
	[sflag:s0] =	ssyncset.done @!p0 $0x0  }
0xd3: {  	[sflag:s0] =	ssyncadd.s32 @!p0 s1  }
0xd4: {  	[bflag:$0x3] =	sbarrier.arrive $0xFFFF  }
0xd5: {  	_ =	shalt  }

</sc_bundles>
